<compile_context>
chip_gen: v7x
topology: tpu7x:2x2x1
jax: 0.10.2.dev20260603
libtpu: 0.0.44.dev20260713+nightly
codegen_flags: <defaults>
</compile_context>

<pallas_src>
import functools

import jax
import jax.numpy as jnp
from jax import lax
from jax.experimental import pallas as pl
from jax.experimental.pallas import tpu as pltpu
from jax.experimental.pallas import tpu_sc as plsc

_VOCAB = 100000
_EMBED = 64
_BATCH = 16384
_SEQ = 50

_NW = 32
_RPW = _BATCH // _NW
_TPW = _RPW * _SEQ
_CHUNK = 128
_NCH = _TPW // _CHUNK

_K = 50
_ROWS2 = _VOCAB // _K
_COLS2 = _K * _EMBED
_ROW_BLK = 200


def _scores_body(t_ref, w_ref, b_ref, o_ref):
    i = pl.program_id(0)
    part = lax.dot_general(
        w_ref[...], t_ref[...], (((0,), (0,)), ((), ())),
        preferred_element_type=jnp.float32) * (1.0 / _SEQ)

    @pl.when(i == 0)
    def _init():
        o_ref[...] = part + b_ref[0] * (1.0 / _SEQ)

    @pl.when(i != 0)
    def _acc():
        o_ref[...] = o_ref[...] + part


def _tc_scores(table_t, w, b):
    return pl.pallas_call(
        _scores_body,
        grid=(4,),
        in_specs=[
            pl.BlockSpec((_EMBED // 4, _VOCAB), lambda i: (i, 0)),
            pl.BlockSpec((_EMBED // 4, 1), lambda i: (i, 0)),
            pl.BlockSpec(memory_space=pltpu.SMEM),
        ],
        out_specs=pl.BlockSpec((1, _VOCAB), lambda i: (0, 0)),
        out_shape=jax.ShapeDtypeStruct((1, _VOCAB), jnp.float32),
    )(table_t, w, b)


@functools.cache
def _make_sc_pool():
    mesh = plsc.VectorSubcoreMesh(core_axis_name="c", subcore_axis_name="s")

    @functools.partial(
        pl.kernel,
        out_type=jax.ShapeDtypeStruct((_BATCH,), jnp.float32),
        mesh=mesh,
        scratch_types=[
            pltpu.VMEM((_SEQ, _RPW), jnp.int32),
            pltpu.VMEM((_TPW,), jnp.float32),
            pltpu.VMEM((_RPW,), jnp.float32),
            pltpu.VMEM_SHARED((_VOCAB,), jnp.float32),
            pltpu.SemaphoreType.DMA,
        ],
    )
    def _sc_pool(xt_hbm, s_hbm, out_hbm, idx_v, vals_v, res_v, s_sh, sem):
        wid = lax.axis_index("s") * 2 + lax.axis_index("c")

        @pl.when(lax.axis_index("s") == 0)
        def _stage_scores():
            pltpu.sync_copy(s_hbm, s_sh)

        pltpu.sync_copy(xt_hbm.at[:, pl.ds(wid * _RPW, _RPW)], idx_v)
        plsc.subcore_barrier()
        def _fire(s):
            for k in range(8):
                t = s * 8 + k
                pltpu.async_copy(
                    s_sh.at[idx_v.at[t >> 2, pl.ds((t & 3) * _CHUNK, _CHUNK)]],
                    vals_v.at[pl.ds(t * _CHUNK, _CHUNK)],
                    sem)

        def _drain():
            for k in range(8):
                pltpu.make_async_copy(
                    s_hbm.at[pl.ds(0, _CHUNK)],
                    vals_v.at[pl.ds(k * _CHUNK, _CHUNK)],
                    sem).wait()

        _fire(0)
        _fire(1)

        def gather_step(s, carry):
            _fire(s)
            _drain()
            return carry

        lax.fori_loop(2, _NCH // 8, gather_step, 0)
        _drain()
        _drain()

        def body(c, carry):
            acc = jnp.zeros((16,), jnp.float32)
            for j in range(_SEQ):
                acc = acc + vals_v[pl.ds(j * _RPW + c * 16, 16)]
            res_v[pl.ds(c * 16, 16)] = 1.0 / (1.0 + jnp.exp(-acc))
            return carry

        lax.fori_loop(0, _RPW // 16, body, 0)
        pltpu.sync_copy(res_v, out_hbm.at[pl.ds(wid * _RPW, _RPW)])

    return _sc_pool


def kernel(x, table, W, b):
    scores = _tc_scores(table.T, W, b)
    pooled = _make_sc_pool()(x.T, scores.reshape(_VOCAB))
    return pooled.reshape(_BATCH, 1)

# --- scband reference (transcript-rebuilt; emitter-appended) ---
"""Pipeline reference for scband-glo-ve-classifier-87488483820265 (READ-ONLY COPY).

The authoritative reference and input builder live on the scoring server;
editing this copy changes nothing except your own understanding.
"""

import jax, jax.numpy as jnp
import numpy as np

VOCAB = 100000
EMBED_DIM = 64
BATCH = 16384
SEQ_LEN = 50

def setup_inputs(seed: int = 0) -> dict:
    key = jax.random.key(seed)
    k1, k2, k3, k4 = jax.random.split(key, 4)
    # token ids, padded to fixed length (format_input pads to max_len; here all rows are full length)
    x = jax.random.randint(k1, (BATCH, SEQ_LEN), 0, VOCAB, dtype=jnp.int32)
    # learned parameters (GloVe embedding table copied into nn.Embedding, plus linear head)
    table = jax.random.normal(k2, (VOCAB, EMBED_DIM), dtype=jnp.float32) * 0.02
    W = jax.random.normal(k3, (EMBED_DIM, 1), dtype=jnp.float32) * 0.1
    b = jax.random.normal(k4, (1,), dtype=jnp.float32) * 0.01
    return {"x": x, "table": table, "W": W, "b": b}

def reference(x, table, W, b):
    # embed = self.embed(input_var)  -> gather rows of the embedding table
    embed = jnp.take(table, x, axis=0)  # [B, L, D]
    # lengths = len(s) for each sequence; all sequences are full length here
    lengths = jnp.full((x.shape[0], 1), float(x.shape[1]), dtype=jnp.float32)
    # embed = torch.sum(embed, 1) / lengths.view(-1, 1)
    pooled = jnp.sum(embed, axis=1) / lengths  # [B, D]
    # self.sigmoid(self.lin(embed))
    logits = pooled @ W + b  # [B, 1]
    return jax.nn.sigmoid(logits)

if __name__ == "__main__":
    import jax
    _d = setup_inputs()
    print(jax.jit(kernel)(*tuple(_d.values())))

</pallas_src>

<mosaic_0001>
#map = affine_map<(d0, d1) -> (0, 0)>
#map1 = affine_map<(d0, d1) -> (0)>
module attributes {stable_mosaic.version = 14 : i64} {
  func.func @_sc_pool(%arg0: i32, %arg1: i32, %arg2: memref<50x16384xi32, #tpu.memory_space<hbm>>, %arg3: memref<100000xf32, #tpu.memory_space<hbm>>, %arg4: memref<16384xf32, #tpu.memory_space<hbm>>, %arg5: memref<50x512xi32, #tpu.memory_space<vmem>>, %arg6: memref<25600xf32, #tpu.memory_space<vmem>>, %arg7: memref<512xf32, #tpu.memory_space<vmem>>, %arg8: memref<100000xf32, #tpu.memory_space<vmem_shared>>, %arg9: memref<!tpu.dma_semaphore, #tpu.memory_space<semaphore_mem>>) attributes {dimension_semantics = [#tpu.dimension_semantics<core_parallel>, #tpu.dimension_semantics<subcore_parallel>], iteration_bounds = array<i64: 2, 16>, scalar_prefetch = 0 : i64, scratch_operands = 5 : i64, tpu.core_type = #tpu.core_type<sc_vector_subcore>, window_params = [{transform_indices = #map}, {transform_indices = #map1}, {transform_indices = #map1}]} {
    %mul3A = arith.constant 2 : i32
    %mul3A_0 = arith.muli %arg1, %mul3A : i32
    %add3A = arith.addi %mul3A_0, %arg0 : i32
    %eq3A = arith.constant 0 : i32
    %eq3A_1 = arith.cmpi eq, %arg1, %eq3A : i32
    %convert_element_type3A = arith.extui %eq3A_1 : i1 to i32
    %cond3A = arith.constant 0 : i32
    %cond3A_2 = arith.cmpi ne, %convert_element_type3A, %cond3A : i32
    scf.if %cond3A_2 {
      "tpu.region"() ({
        %run_scoped3A = tpu.sem_alloc : memref<!tpu.dma_semaphore, #tpu.memory_space<semaphore_mem>>
        tpu.enqueue_dma source(%arg3 : memref<100000xf32, #tpu.memory_space<hbm>>) target(%arg8 : memref<100000xf32, #tpu.memory_space<vmem_shared>>) target_semaphore(%run_scoped3A : memref<!tpu.dma_semaphore, #tpu.memory_space<semaphore_mem>>)
        tpu.wait_dma2 semaphore(%run_scoped3A : memref<!tpu.dma_semaphore, #tpu.memory_space<semaphore_mem>>) src(%arg3 : memref<100000xf32, #tpu.memory_space<hbm>>) dst(%arg8 : memref<100000xf32, #tpu.memory_space<vmem_shared>>)
        tpu.yield
      }) : () -> ()
    } else {
    }
    %mul3A_3 = arith.constant 512 : i32
    %mul3A_4 = arith.muli %add3A, %mul3A_3 : i32
    "tpu.region"() ({
      %run_scoped3A = tpu.sem_alloc : memref<!tpu.dma_semaphore, #tpu.memory_space<semaphore_mem>>
      %dma_start3A_272 = arith.constant 0 : i32
      %dma_start3A_273 = tpu.memref_slice %arg2[%dma_start3A_272, %mul3A_4] : memref<50x16384xi32, #tpu.memory_space<hbm>> -> memref<50x512xi32, #tpu.memory_space<hbm>>
      %dma_start3A_274 = arith.constant 0 : i32
      %dma_start3A_275 = tpu.memref_slice %arg2[%dma_start3A_274, %mul3A_4] : memref<50x16384xi32, #tpu.memory_space<hbm>> -> memref<50x512xi32, #tpu.memory_space<hbm>>
      tpu.enqueue_dma source(%dma_start3A_275 : memref<50x512xi32, #tpu.memory_space<hbm>>) target(%arg5 : memref<50x512xi32, #tpu.memory_space<vmem>>) target_semaphore(%run_scoped3A : memref<!tpu.dma_semaphore, #tpu.memory_space<semaphore_mem>>)
      %dma_wait3A_276 = arith.constant 0 : i32
      %dma_wait3A_277 = tpu.memref_slice %arg2[%dma_wait3A_276, %mul3A_4] : memref<50x16384xi32, #tpu.memory_space<hbm>> -> memref<50x512xi32, #tpu.memory_space<hbm>>
      %dma_wait3A_278 = arith.constant 0 : i32
      %dma_wait3A_279 = tpu.memref_slice %arg2[%dma_wait3A_278, %mul3A_4] : memref<50x16384xi32, #tpu.memory_space<hbm>> -> memref<50x512xi32, #tpu.memory_space<hbm>>
      tpu.wait_dma2 semaphore(%run_scoped3A : memref<!tpu.dma_semaphore, #tpu.memory_space<semaphore_mem>>) src(%dma_wait3A_279 : memref<50x512xi32, #tpu.memory_space<hbm>>) dst(%arg5 : memref<50x512xi32, #tpu.memory_space<vmem>>)
      tpu.yield
    }) : () -> ()
    %barrier3A = arith.constant 0 : index
    tpu.barrier barrier_id(%barrier3A)
    %dma_start3A = arith.constant 0 : i32
    %dma_start3A_5 = arith.constant 0 : i32
    %dma_start3A_6 = tpu.memref_slice %arg6[%dma_start3A_5] : memref<25600xf32, #tpu.memory_space<vmem>> -> memref<128xf32, #tpu.memory_space<vmem>>
    %dma_start3A_7 = arith.constant 0 : i32
    %dma_start3A_8 = tpu.memref_slice %arg5[%dma_start3A, %dma_start3A_7] : memref<50x512xi32, #tpu.memory_space<vmem>> -> memref<1x128xi32, #tpu.memory_space<vmem>>
    %dma_start3A_9 = tpu.memref_squeeze %dma_start3A_8 : memref<1x128xi32, #tpu.memory_space<vmem>> -> memref<128xi32, #tpu.memory_space<vmem>>
    %dma_start3A_10 = arith.constant 0 : i32
    %dma_start3A_11 = tpu.memref_slice %arg8[%dma_start3A_10] : memref<100000xf32, #tpu.memory_space<vmem_shared>> -> memref<100000xf32, #tpu.memory_space<vmem_shared>>
    tpu.enqueue_indirect_dma source(%dma_start3A_11 : memref<100000xf32, #tpu.memory_space<vmem_shared>>) target(%dma_start3A_6 : memref<128xf32, #tpu.memory_space<vmem>>) offsets(%dma_start3A_9 : memref<128xi32, #tpu.memory_space<vmem>>) semaphore(%arg9 : memref<!tpu.dma_semaphore, #tpu.memory_space<semaphore_mem>>)
    %dma_start3A_12 = arith.constant 0 : i32
    %dma_start3A_13 = arith.constant 128 : i32
    %dma_start3A_14 = tpu.memref_slice %arg6[%dma_start3A_13] : memref<25600xf32, #tpu.memory_space<vmem>> -> memref<128xf32, #tpu.memory_space<vmem>>
    %dma_start3A_15 = arith.constant 128 : i32
    %dma_start3A_16 = tpu.memref_slice %arg5[%dma_start3A_12, %dma_start3A_15] : memref<50x512xi32, #tpu.memory_space<vmem>> -> memref<1x128xi32, #tpu.memory_space<vmem>>
    %dma_start3A_17 = tpu.memref_squeeze %dma_start3A_16 : memref<1x128xi32, #tpu.memory_space<vmem>> -> memref<128xi32, #tpu.memory_space<vmem>>
    %dma_start3A_18 = arith.constant 0 : i32
    %dma_start3A_19 = tpu.memref_slice %arg8[%dma_start3A_18] : memref<100000xf32, #tpu.memory_space<vmem_shared>> -> memref<100000xf32, #tpu.memory_space<vmem_shared>>
    tpu.enqueue_indirect_dma source(%dma_start3A_19 : memref<100000xf32, #tpu.memory_space<vmem_shared>>) target(%dma_start3A_14 : memref<128xf32, #tpu.memory_space<vmem>>) offsets(%dma_start3A_17 : memref<128xi32, #tpu.memory_space<vmem>>) semaphore(%arg9 : memref<!tpu.dma_semaphore, #tpu.memory_space<semaphore_mem>>)
    %dma_start3A_20 = arith.constant 0 : i32
    %dma_start3A_21 = arith.constant 256 : i32
    %dma_start3A_22 = tpu.memref_slice %arg6[%dma_start3A_21] : memref<25600xf32, #tpu.memory_space<vmem>> -> memref<128xf32, #tpu.memory_space<vmem>>
    %dma_start3A_23 = arith.constant 256 : i32
    %dma_start3A_24 = tpu.memref_slice %arg5[%dma_start3A_20, %dma_start3A_23] : memref<50x512xi32, #tpu.memory_space<vmem>> -> memref<1x128xi32, #tpu.memory_space<vmem>>
    %dma_start3A_25 = tpu.memref_squeeze %dma_start3A_24 : memref<1x128xi32, #tpu.memory_space<vmem>> -> memref<128xi32, #tpu.memory_space<vmem>>
    %dma_start3A_26 = arith.constant 0 : i32
    %dma_start3A_27 = tpu.memref_slice %arg8[%dma_start3A_26] : memref<100000xf32, #tpu.memory_space<vmem_shared>> -> memref<100000xf32, #tpu.memory_space<vmem_shared>>
    tpu.enqueue_indirect_dma source(%dma_start3A_27 : memref<100000xf32, #tpu.memory_space<vmem_shared>>) target(%dma_start3A_22 : memref<128xf32, #tpu.memory_space<vmem>>) offsets(%dma_start3A_25 : memref<128xi32, #tpu.memory_space<vmem>>) semaphore(%arg9 : memref<!tpu.dma_semaphore, #tpu.memory_space<semaphore_mem>>)
    %dma_start3A_28 = arith.constant 0 : i32
    %dma_start3A_29 = arith.constant 384 : i32
    %dma_start3A_30 = tpu.memref_slice %arg6[%dma_start3A_29] : memref<25600xf32, #tpu.memory_space<vmem>> -> memref<128xf32, #tpu.memory_space<vmem>>
    %dma_start3A_31 = arith.constant 384 : i32
    %dma_start3A_32 = tpu.memref_slice %arg5[%dma_start3A_28, %dma_start3A_31] : memref<50x512xi32, #tpu.memory_space<vmem>> -> memref<1x128xi32, #tpu.memory_space<vmem>>
    %dma_start3A_33 = tpu.memref_squeeze %dma_start3A_32 : memref<1x128xi32, #tpu.memory_space<vmem>> -> memref<128xi32, #tpu.memory_space<vmem>>
    %dma_start3A_34 = arith.constant 0 : i32
    %dma_start3A_35 = tpu.memref_slice %arg8[%dma_start3A_34] : memref<100000xf32, #tpu.memory_space<vmem_shared>> -> memref<100000xf32, #tpu.memory_space<vmem_shared>>
    tpu.enqueue_indirect_dma source(%dma_start3A_35 : memref<100000xf32, #tpu.memory_space<vmem_shared>>) target(%dma_start3A_30 : memref<128xf32, #tpu.memory_space<vmem>>) offsets(%dma_start3A_33 : memref<128xi32, #tpu.memory_space<vmem>>) semaphore(%arg9 : memref<!tpu.dma_semaphore, #tpu.memory_space<semaphore_mem>>)
    %dma_start3A_36 = arith.constant 1 : i32
    %dma_start3A_37 = arith.constant 512 : i32
    %dma_start3A_38 = tpu.memref_slice %arg6[%dma_start3A_37] : memref<25600xf32, #tpu.memory_space<vmem>> -> memref<128xf32, #tpu.memory_space<vmem>>
    %dma_start3A_39 = arith.constant 0 : i32
    %dma_start3A_40 = tpu.memref_slice %arg5[%dma_start3A_36, %dma_start3A_39] : memref<50x512xi32, #tpu.memory_space<vmem>> -> memref<1x128xi32, #tpu.memory_space<vmem>>
    %dma_start3A_41 = tpu.memref_squeeze %dma_start3A_40 : memref<1x128xi32, #tpu.memory_space<vmem>> -> memref<128xi32, #tpu.memory_space<vmem>>
    %dma_start3A_42 = arith.constant 0 : i32
    %dma_start3A_43 = tpu.memref_slice %arg8[%dma_start3A_42] : memref<100000xf32, #tpu.memory_space<vmem_shared>> -> memref<100000xf32, #tpu.memory_space<vmem_shared>>
    tpu.enqueue_indirect_dma source(%dma_start3A_43 : memref<100000xf32, #tpu.memory_space<vmem_shared>>) target(%dma_start3A_38 : memref<128xf32, #tpu.memory_space<vmem>>) offsets(%dma_start3A_41 : memref<128xi32, #tpu.memory_space<vmem>>) semaphore(%arg9 : memref<!tpu.dma_semaphore, #tpu.memory_space<semaphore_mem>>)
    %dma_start3A_44 = arith.constant 1 : i32
    %dma_start3A_45 = arith.constant 640 : i32
    %dma_start3A_46 = tpu.memref_slice %arg6[%dma_start3A_45] : memref<25600xf32, #tpu.memory_space<vmem>> -> memref<128xf32, #tpu.memory_space<vmem>>
    %dma_start3A_47 = arith.constant 128 : i32
    %dma_start3A_48 = tpu.memref_slice %arg5[%dma_start3A_44, %dma_start3A_47] : memref<50x512xi32, #tpu.memory_space<vmem>> -> memref<1x128xi32, #tpu.memory_space<vmem>>
    %dma_start3A_49 = tpu.memref_squeeze %dma_start3A_48 : memref<1x128xi32, #tpu.memory_space<vmem>> -> memref<128xi32, #tpu.memory_space<vmem>>
    %dma_start3A_50 = arith.constant 0 : i32
    %dma_start3A_51 = tpu.memref_slice %arg8[%dma_start3A_50] : memref<100000xf32, #tpu.memory_space<vmem_shared>> -> memref<100000xf32, #tpu.memory_space<vmem_shared>>
    tpu.enqueue_indirect_dma source(%dma_start3A_51 : memref<100000xf32, #tpu.memory_space<vmem_shared>>) target(%dma_start3A_46 : memref<128xf32, #tpu.memory_space<vmem>>) offsets(%dma_start3A_49 : memref<128xi32, #tpu.memory_space<vmem>>) semaphore(%arg9 : memref<!tpu.dma_semaphore, #tpu.memory_space<semaphore_mem>>)
    %dma_start3A_52 = arith.constant 1 : i32
    %dma_start3A_53 = arith.constant 768 : i32
    %dma_start3A_54 = tpu.memref_slice %arg6[%dma_start3A_53] : memref<25600xf32, #tpu.memory_space<vmem>> -> memref<128xf32, #tpu.memory_space<vmem>>
    %dma_start3A_55 = arith.constant 256 : i32
    %dma_start3A_56 = tpu.memref_slice %arg5[%dma_start3A_52, %dma_start3A_55] : memref<50x512xi32, #tpu.memory_space<vmem>> -> memref<1x128xi32, #tpu.memory_space<vmem>>
    %dma_start3A_57 = tpu.memref_squeeze %dma_start3A_56 : memref<1x128xi32, #tpu.memory_space<vmem>> -> memref<128xi32, #tpu.memory_space<vmem>>
    %dma_start3A_58 = arith.constant 0 : i32
    %dma_start3A_59 = tpu.memref_slice %arg8[%dma_start3A_58] : memref<100000xf32, #tpu.memory_space<vmem_shared>> -> memref<100000xf32, #tpu.memory_space<vmem_shared>>
    tpu.enqueue_indirect_dma source(%dma_start3A_59 : memref<100000xf32, #tpu.memory_space<vmem_shared>>) target(%dma_start3A_54 : memref<128xf32, #tpu.memory_space<vmem>>) offsets(%dma_start3A_57 : memref<128xi32, #tpu.memory_space<vmem>>) semaphore(%arg9 : memref<!tpu.dma_semaphore, #tpu.memory_space<semaphore_mem>>)
    %dma_start3A_60 = arith.constant 1 : i32
    %dma_start3A_61 = arith.constant 896 : i32
    %dma_start3A_62 = tpu.memref_slice %arg6[%dma_start3A_61] : memref<25600xf32, #tpu.memory_space<vmem>> -> memref<128xf32, #tpu.memory_space<vmem>>
    %dma_start3A_63 = arith.constant 384 : i32
    %dma_start3A_64 = tpu.memref_slice %arg5[%dma_start3A_60, %dma_start3A_63] : memref<50x512xi32, #tpu.memory_space<vmem>> -> memref<1x128xi32, #tpu.memory_space<vmem>>
    %dma_start3A_65 = tpu.memref_squeeze %dma_start3A_64 : memref<1x128xi32, #tpu.memory_space<vmem>> -> memref<128xi32, #tpu.memory_space<vmem>>
    %dma_start3A_66 = arith.constant 0 : i32
    %dma_start3A_67 = tpu.memref_slice %arg8[%dma_start3A_66] : memref<100000xf32, #tpu.memory_space<vmem_shared>> -> memref<100000xf32, #tpu.memory_space<vmem_shared>>
    tpu.enqueue_indirect_dma source(%dma_start3A_67 : memref<100000xf32, #tpu.memory_space<vmem_shared>>) target(%dma_start3A_62 : memref<128xf32, #tpu.memory_space<vmem>>) offsets(%dma_start3A_65 : memref<128xi32, #tpu.memory_space<vmem>>) semaphore(%arg9 : memref<!tpu.dma_semaphore, #tpu.memory_space<semaphore_mem>>)
    %dma_start3A_68 = arith.constant 2 : i32
    %dma_start3A_69 = arith.constant 1024 : i32
    %dma_start3A_70 = tpu.memref_slice %arg6[%dma_start3A_69] : memref<25600xf32, #tpu.memory_space<vmem>> -> memref<128xf32, #tpu.memory_space<vmem>>
    %dma_start3A_71 = arith.constant 0 : i32
    %dma_start3A_72 = tpu.memref_slice %arg5[%dma_start3A_68, %dma_start3A_71] : memref<50x512xi32, #tpu.memory_space<vmem>> -> memref<1x128xi32, #tpu.memory_space<vmem>>
    %dma_start3A_73 = tpu.memref_squeeze %dma_start3A_72 : memref<1x128xi32, #tpu.memory_space<vmem>> -> memref<128xi32, #tpu.memory_space<vmem>>
    %dma_start3A_74 = arith.constant 0 : i32
    %dma_start3A_75 = tpu.memref_slice %arg8[%dma_start3A_74] : memref<100000xf32, #tpu.memory_space<vmem_shared>> -> memref<100000xf32, #tpu.memory_space<vmem_shared>>
    tpu.enqueue_indirect_dma source(%dma_start3A_75 : memref<100000xf32, #tpu.memory_space<vmem_shared>>) target(%dma_start3A_70 : memref<128xf32, #tpu.memory_space<vmem>>) offsets(%dma_start3A_73 : memref<128xi32, #tpu.memory_space<vmem>>) semaphore(%arg9 : memref<!tpu.dma_semaphore, #tpu.memory_space<semaphore_mem>>)
    %dma_start3A_76 = arith.constant 2 : i32
    %dma_start3A_77 = arith.constant 1152 : i32
    %dma_start3A_78 = tpu.memref_slice %arg6[%dma_start3A_77] : memref<25600xf32, #tpu.memory_space<vmem>> -> memref<128xf32, #tpu.memory_space<vmem>>
    %dma_start3A_79 = arith.constant 128 : i32
    %dma_start3A_80 = tpu.memref_slice %arg5[%dma_start3A_76, %dma_start3A_79] : memref<50x512xi32, #tpu.memory_space<vmem>> -> memref<1x128xi32, #tpu.memory_space<vmem>>
    %dma_start3A_81 = tpu.memref_squeeze %dma_start3A_80 : memref<1x128xi32, #tpu.memory_space<vmem>> -> memref<128xi32, #tpu.memory_space<vmem>>
    %dma_start3A_82 = arith.constant 0 : i32
    %dma_start3A_83 = tpu.memref_slice %arg8[%dma_start3A_82] : memref<100000xf32, #tpu.memory_space<vmem_shared>> -> memref<100000xf32, #tpu.memory_space<vmem_shared>>
    tpu.enqueue_indirect_dma source(%dma_start3A_83 : memref<100000xf32, #tpu.memory_space<vmem_shared>>) target(%dma_start3A_78 : memref<128xf32, #tpu.memory_space<vmem>>) offsets(%dma_start3A_81 : memref<128xi32, #tpu.memory_space<vmem>>) semaphore(%arg9 : memref<!tpu.dma_semaphore, #tpu.memory_space<semaphore_mem>>)
    %dma_start3A_84 = arith.constant 2 : i32
    %dma_start3A_85 = arith.constant 1280 : i32
    %dma_start3A_86 = tpu.memref_slice %arg6[%dma_start3A_85] : memref<25600xf32, #tpu.memory_space<vmem>> -> memref<128xf32, #tpu.memory_space<vmem>>
    %dma_start3A_87 = arith.constant 256 : i32
    %dma_start3A_88 = tpu.memref_slice %arg5[%dma_start3A_84, %dma_start3A_87] : memref<50x512xi32, #tpu.memory_space<vmem>> -> memref<1x128xi32, #tpu.memory_space<vmem>>
    %dma_start3A_89 = tpu.memref_squeeze %dma_start3A_88 : memref<1x128xi32, #tpu.memory_space<vmem>> -> memref<128xi32, #tpu.memory_space<vmem>>
    %dma_start3A_90 = arith.constant 0 : i32
    %dma_start3A_91 = tpu.memref_slice %arg8[%dma_start3A_90] : memref<100000xf32, #tpu.memory_space<vmem_shared>> -> memref<100000xf32, #tpu.memory_space<vmem_shared>>
    tpu.enqueue_indirect_dma source(%dma_start3A_91 : memref<100000xf32, #tpu.memory_space<vmem_shared>>) target(%dma_start3A_86 : memref<128xf32, #tpu.memory_space<vmem>>) offsets(%dma_start3A_89 : memref<128xi32, #tpu.memory_space<vmem>>) semaphore(%arg9 : memref<!tpu.dma_semaphore, #tpu.memory_space<semaphore_mem>>)
    %dma_start3A_92 = arith.constant 2 : i32
    %dma_start3A_93 = arith.constant 1408 : i32
    %dma_start3A_94 = tpu.memref_slice %arg6[%dma_start3A_93] : memref<25600xf32, #tpu.memory_space<vmem>> -> memref<128xf32, #tpu.memory_space<vmem>>
    %dma_start3A_95 = arith.constant 384 : i32
    %dma_start3A_96 = tpu.memref_slice %arg5[%dma_start3A_92, %dma_start3A_95] : memref<50x512xi32, #tpu.memory_space<vmem>> -> memref<1x128xi32, #tpu.memory_space<vmem>>
    %dma_start3A_97 = tpu.memref_squeeze %dma_start3A_96 : memref<1x128xi32, #tpu.memory_space<vmem>> -> memref<128xi32, #tpu.memory_space<vmem>>
    %dma_start3A_98 = arith.constant 0 : i32
    %dma_start3A_99 = tpu.memref_slice %arg8[%dma_start3A_98] : memref<100000xf32, #tpu.memory_space<vmem_shared>> -> memref<100000xf32, #tpu.memory_space<vmem_shared>>
    tpu.enqueue_indirect_dma source(%dma_start3A_99 : memref<100000xf32, #tpu.memory_space<vmem_shared>>) target(%dma_start3A_94 : memref<128xf32, #tpu.memory_space<vmem>>) offsets(%dma_start3A_97 : memref<128xi32, #tpu.memory_space<vmem>>) semaphore(%arg9 : memref<!tpu.dma_semaphore, #tpu.memory_space<semaphore_mem>>)
    %dma_start3A_100 = arith.constant 3 : i32
    %dma_start3A_101 = arith.constant 1536 : i32
    %dma_start3A_102 = tpu.memref_slice %arg6[%dma_start3A_101] : memref<25600xf32, #tpu.memory_space<vmem>> -> memref<128xf32, #tpu.memory_space<vmem>>
    %dma_start3A_103 = arith.constant 0 : i32
    %dma_start3A_104 = tpu.memref_slice %arg5[%dma_start3A_100, %dma_start3A_103] : memref<50x512xi32, #tpu.memory_space<vmem>> -> memref<1x128xi32, #tpu.memory_space<vmem>>
    %dma_start3A_105 = tpu.memref_squeeze %dma_start3A_104 : memref<1x128xi32, #tpu.memory_space<vmem>> -> memref<128xi32, #tpu.memory_space<vmem>>
    %dma_start3A_106 = arith.constant 0 : i32
    %dma_start3A_107 = tpu.memref_slice %arg8[%dma_start3A_106] : memref<100000xf32, #tpu.memory_space<vmem_shared>> -> memref<100000xf32, #tpu.memory_space<vmem_shared>>
    tpu.enqueue_indirect_dma source(%dma_start3A_107 : memref<100000xf32, #tpu.memory_space<vmem_shared>>) target(%dma_start3A_102 : memref<128xf32, #tpu.memory_space<vmem>>) offsets(%dma_start3A_105 : memref<128xi32, #tpu.memory_space<vmem>>) semaphore(%arg9 : memref<!tpu.dma_semaphore, #tpu.memory_space<semaphore_mem>>)
    %dma_start3A_108 = arith.constant 3 : i32
    %dma_start3A_109 = arith.constant 1664 : i32
    %dma_start3A_110 = tpu.memref_slice %arg6[%dma_start3A_109] : memref<25600xf32, #tpu.memory_space<vmem>> -> memref<128xf32, #tpu.memory_space<vmem>>
    %dma_start3A_111 = arith.constant 128 : i32
    %dma_start3A_112 = tpu.memref_slice %arg5[%dma_start3A_108, %dma_start3A_111] : memref<50x512xi32, #tpu.memory_space<vmem>> -> memref<1x128xi32, #tpu.memory_space<vmem>>
    %dma_start3A_113 = tpu.memref_squeeze %dma_start3A_112 : memref<1x128xi32, #tpu.memory_space<vmem>> -> memref<128xi32, #tpu.memory_space<vmem>>
    %dma_start3A_114 = arith.constant 0 : i32
    %dma_start3A_115 = tpu.memref_slice %arg8[%dma_start3A_114] : memref<100000xf32, #tpu.memory_space<vmem_shared>> -> memref<100000xf32, #tpu.memory_space<vmem_shared>>
    tpu.enqueue_indirect_dma source(%dma_start3A_115 : memref<100000xf32, #tpu.memory_space<vmem_shared>>) target(%dma_start3A_110 : memref<128xf32, #tpu.memory_space<vmem>>) offsets(%dma_start3A_113 : memref<128xi32, #tpu.memory_space<vmem>>) semaphore(%arg9 : memref<!tpu.dma_semaphore, #tpu.memory_space<semaphore_mem>>)
    %dma_start3A_116 = arith.constant 3 : i32
    %dma_start3A_117 = arith.constant 1792 : i32
    %dma_start3A_118 = tpu.memref_slice %arg6[%dma_start3A_117] : memref<25600xf32, #tpu.memory_space<vmem>> -> memref<128xf32, #tpu.memory_space<vmem>>
    %dma_start3A_119 = arith.constant 256 : i32
    %dma_start3A_120 = tpu.memref_slice %arg5[%dma_start3A_116, %dma_start3A_119] : memref<50x512xi32, #tpu.memory_space<vmem>> -> memref<1x128xi32, #tpu.memory_space<vmem>>
    %dma_start3A_121 = tpu.memref_squeeze %dma_start3A_120 : memref<1x128xi32, #tpu.memory_space<vmem>> -> memref<128xi32, #tpu.memory_space<vmem>>
    %dma_start3A_122 = arith.constant 0 : i32
    %dma_start3A_123 = tpu.memref_slice %arg8[%dma_start3A_122] : memref<100000xf32, #tpu.memory_space<vmem_shared>> -> memref<100000xf32, #tpu.memory_space<vmem_shared>>
    tpu.enqueue_indirect_dma source(%dma_start3A_123 : memref<100000xf32, #tpu.memory_space<vmem_shared>>) target(%dma_start3A_118 : memref<128xf32, #tpu.memory_space<vmem>>) offsets(%dma_start3A_121 : memref<128xi32, #tpu.memory_space<vmem>>) semaphore(%arg9 : memref<!tpu.dma_semaphore, #tpu.memory_space<semaphore_mem>>)
    %dma_start3A_124 = arith.constant 3 : i32
    %dma_start3A_125 = arith.constant 1920 : i32
    %dma_start3A_126 = tpu.memref_slice %arg6[%dma_start3A_125] : memref<25600xf32, #tpu.memory_space<vmem>> -> memref<128xf32, #tpu.memory_space<vmem>>
    %dma_start3A_127 = arith.constant 384 : i32
    %dma_start3A_128 = tpu.memref_slice %arg5[%dma_start3A_124, %dma_start3A_127] : memref<50x512xi32, #tpu.memory_space<vmem>> -> memref<1x128xi32, #tpu.memory_space<vmem>>
    %dma_start3A_129 = tpu.memref_squeeze %dma_start3A_128 : memref<1x128xi32, #tpu.memory_space<vmem>> -> memref<128xi32, #tpu.memory_space<vmem>>
    %dma_start3A_130 = arith.constant 0 : i32
    %dma_start3A_131 = tpu.memref_slice %arg8[%dma_start3A_130] : memref<100000xf32, #tpu.memory_space<vmem_shared>> -> memref<100000xf32, #tpu.memory_space<vmem_shared>>
    tpu.enqueue_indirect_dma source(%dma_start3A_131 : memref<100000xf32, #tpu.memory_space<vmem_shared>>) target(%dma_start3A_126 : memref<128xf32, #tpu.memory_space<vmem>>) offsets(%dma_start3A_129 : memref<128xi32, #tpu.memory_space<vmem>>) semaphore(%arg9 : memref<!tpu.dma_semaphore, #tpu.memory_space<semaphore_mem>>)
    %scan3A = arith.constant 0 : i32
    %scan3A_132 = arith.constant 2 : i32
    %scan3A_133 = arith.constant 23 : i32
    %scan3A_134 = arith.addi %scan3A_132, %scan3A_133 : i32
    %scan3A_135 = arith.constant 1 : i32
    scf.for %scan3A_272 = %scan3A_132 to %scan3A_134 step %scan3A_135  : i32 {
      %mul3A_273 = arith.constant 8 : i32
      %mul3A_274 = arith.muli %scan3A_272, %mul3A_273 : i32
      %add3A_275 = arith.constant 0 : i32
      %add3A_276 = arith.addi %mul3A_274, %add3A_275 : i32
      %shift_right_arithmetic3A = arith.constant 2 : i32
      %shift_right_arithmetic3A_277 = arith.shrsi %add3A_276, %shift_right_arithmetic3A : i32
      %and3A = arith.constant 3 : i32
      %and3A_278 = arith.andi %add3A_276, %and3A : i32
      %mul3A_279 = arith.constant 128 : i32
      %mul3A_280 = arith.muli %and3A_278, %mul3A_279 : i32
      %mul3A_281 = arith.constant 128 : i32
      %mul3A_282 = arith.muli %add3A_276, %mul3A_281 : i32
      %dma_start3A_283 = tpu.memref_slice %arg6[%mul3A_282] : memref<25600xf32, #tpu.memory_space<vmem>> -> memref<128xf32, #tpu.memory_space<vmem>>
      %dma_start3A_284 = tpu.memref_slice %arg5[%shift_right_arithmetic3A_277, %mul3A_280] : memref<50x512xi32, #tpu.memory_space<vmem>> -> memref<1x128xi32, #tpu.memory_space<vmem>>
      %dma_start3A_285 = tpu.memref_squeeze %dma_start3A_284 : memref<1x128xi32, #tpu.memory_space<vmem>> -> memref<128xi32, #tpu.memory_space<vmem>>
      %dma_start3A_286 = arith.constant 0 : i32
      %dma_start3A_287 = tpu.memref_slice %arg8[%dma_start3A_286] : memref<100000xf32, #tpu.memory_space<vmem_shared>> -> memref<100000xf32, #tpu.memory_space<vmem_shared>>
      tpu.enqueue_indirect_dma source(%dma_start3A_287 : memref<100000xf32, #tpu.memory_space<vmem_shared>>) target(%dma_start3A_283 : memref<128xf32, #tpu.memory_space<vmem>>) offsets(%dma_start3A_285 : memref<128xi32, #tpu.memory_space<vmem>>) semaphore(%arg9 : memref<!tpu.dma_semaphore, #tpu.memory_space<semaphore_mem>>)
      %mul3A_288 = arith.constant 8 : i32
      %mul3A_289 = arith.muli %scan3A_272, %mul3A_288 : i32
      %add3A_290 = arith.constant 1 : i32
      %add3A_291 = arith.addi %mul3A_289, %add3A_290 : i32
      %shift_right_arithmetic3A_292 = arith.constant 2 : i32
      %shift_right_arithmetic3A_293 = arith.shrsi %add3A_291, %shift_right_arithmetic3A_292 : i32
      %and3A_294 = arith.constant 3 : i32
      %and3A_295 = arith.andi %add3A_291, %and3A_294 : i32
      %mul3A_296 = arith.constant 128 : i32
      %mul3A_297 = arith.muli %and3A_295, %mul3A_296 : i32
      %mul3A_298 = arith.constant 128 : i32
      %mul3A_299 = arith.muli %add3A_291, %mul3A_298 : i32
      %dma_start3A_300 = tpu.memref_slice %arg6[%mul3A_299] : memref<25600xf32, #tpu.memory_space<vmem>> -> memref<128xf32, #tpu.memory_space<vmem>>
      %dma_start3A_301 = tpu.memref_slice %arg5[%shift_right_arithmetic3A_293, %mul3A_297] : memref<50x512xi32, #tpu.memory_space<vmem>> -> memref<1x128xi32, #tpu.memory_space<vmem>>
      %dma_start3A_302 = tpu.memref_squeeze %dma_start3A_301 : memref<1x128xi32, #tpu.memory_space<vmem>> -> memref<128xi32, #tpu.memory_space<vmem>>
      %dma_start3A_303 = arith.constant 0 : i32
      %dma_start3A_304 = tpu.memref_slice %arg8[%dma_start3A_303] : memref<100000xf32, #tpu.memory_space<vmem_shared>> -> memref<100000xf32, #tpu.memory_space<vmem_shared>>
      tpu.enqueue_indirect_dma source(%dma_start3A_304 : memref<100000xf32, #tpu.memory_space<vmem_shared>>) target(%dma_start3A_300 : memref<128xf32, #tpu.memory_space<vmem>>) offsets(%dma_start3A_302 : memref<128xi32, #tpu.memory_space<vmem>>) semaphore(%arg9 : memref<!tpu.dma_semaphore, #tpu.memory_space<semaphore_mem>>)
      %mul3A_305 = arith.constant 8 : i32
      %mul3A_306 = arith.muli %scan3A_272, %mul3A_305 : i32
      %add3A_307 = arith.constant 2 : i32
      %add3A_308 = arith.addi %mul3A_306, %add3A_307 : i32
      %shift_right_arithmetic3A_309 = arith.constant 2 : i32
      %shift_right_arithmetic3A_310 = arith.shrsi %add3A_308, %shift_right_arithmetic3A_309 : i32
      %and3A_311 = arith.constant 3 : i32
      %and3A_312 = arith.andi %add3A_308, %and3A_311 : i32
      %mul3A_313 = arith.constant 128 : i32
      %mul3A_314 = arith.muli %and3A_312, %mul3A_313 : i32
      %mul3A_315 = arith.constant 128 : i32
      %mul3A_316 = arith.muli %add3A_308, %mul3A_315 : i32
      %dma_start3A_317 = tpu.memref_slice %arg6[%mul3A_316] : memref<25600xf32, #tpu.memory_space<vmem>> -> memref<128xf32, #tpu.memory_space<vmem>>
      %dma_start3A_318 = tpu.memref_slice %arg5[%shift_right_arithmetic3A_310, %mul3A_314] : memref<50x512xi32, #tpu.memory_space<vmem>> -> memref<1x128xi32, #tpu.memory_space<vmem>>
      %dma_start3A_319 = tpu.memref_squeeze %dma_start3A_318 : memref<1x128xi32, #tpu.memory_space<vmem>> -> memref<128xi32, #tpu.memory_space<vmem>>
      %dma_start3A_320 = arith.constant 0 : i32
      %dma_start3A_321 = tpu.memref_slice %arg8[%dma_start3A_320] : memref<100000xf32, #tpu.memory_space<vmem_shared>> -> memref<100000xf32, #tpu.memory_space<vmem_shared>>
      tpu.enqueue_indirect_dma source(%dma_start3A_321 : memref<100000xf32, #tpu.memory_space<vmem_shared>>) target(%dma_start3A_317 : memref<128xf32, #tpu.memory_space<vmem>>) offsets(%dma_start3A_319 : memref<128xi32, #tpu.memory_space<vmem>>) semaphore(%arg9 : memref<!tpu.dma_semaphore, #tpu.memory_space<semaphore_mem>>)
      %mul3A_322 = arith.constant 8 : i32
      %mul3A_323 = arith.muli %scan3A_272, %mul3A_322 : i32
      %add3A_324 = arith.constant 3 : i32
      %add3A_325 = arith.addi %mul3A_323, %add3A_324 : i32
      %shift_right_arithmetic3A_326 = arith.constant 2 : i32
      %shift_right_arithmetic3A_327 = arith.shrsi %add3A_325, %shift_right_arithmetic3A_326 : i32
      %and3A_328 = arith.constant 3 : i32
      %and3A_329 = arith.andi %add3A_325, %and3A_328 : i32
      %mul3A_330 = arith.constant 128 : i32
      %mul3A_331 = arith.muli %and3A_329, %mul3A_330 : i32
      %mul3A_332 = arith.constant 128 : i32
      %mul3A_333 = arith.muli %add3A_325, %mul3A_332 : i32
      %dma_start3A_334 = tpu.memref_slice %arg6[%mul3A_333] : memref<25600xf32, #tpu.memory_space<vmem>> -> memref<128xf32, #tpu.memory_space<vmem>>
      %dma_start3A_335 = tpu.memref_slice %arg5[%shift_right_arithmetic3A_327, %mul3A_331] : memref<50x512xi32, #tpu.memory_space<vmem>> -> memref<1x128xi32, #tpu.memory_space<vmem>>
      %dma_start3A_336 = tpu.memref_squeeze %dma_start3A_335 : memref<1x128xi32, #tpu.memory_space<vmem>> -> memref<128xi32, #tpu.memory_space<vmem>>
      %dma_start3A_337 = arith.constant 0 : i32
      %dma_start3A_338 = tpu.memref_slice %arg8[%dma_start3A_337] : memref<100000xf32, #tpu.memory_space<vmem_shared>> -> memref<100000xf32, #tpu.memory_space<vmem_shared>>
      tpu.enqueue_indirect_dma source(%dma_start3A_338 : memref<100000xf32, #tpu.memory_space<vmem_shared>>) target(%dma_start3A_334 : memref<128xf32, #tpu.memory_space<vmem>>) offsets(%dma_start3A_336 : memref<128xi32, #tpu.memory_space<vmem>>) semaphore(%arg9 : memref<!tpu.dma_semaphore, #tpu.memory_space<semaphore_mem>>)
      %mul3A_339 = arith.constant 8 : i32
      %mul3A_340 = arith.muli %scan3A_272, %mul3A_339 : i32
      %add3A_341 = arith.constant 4 : i32
      %add3A_342 = arith.addi %mul3A_340, %add3A_341 : i32
      %shift_right_arithmetic3A_343 = arith.constant 2 : i32
      %shift_right_arithmetic3A_344 = arith.shrsi %add3A_342, %shift_right_arithmetic3A_343 : i32
      %and3A_345 = arith.constant 3 : i32
      %and3A_346 = arith.andi %add3A_342, %and3A_345 : i32
      %mul3A_347 = arith.constant 128 : i32
      %mul3A_348 = arith.muli %and3A_346, %mul3A_347 : i32
      %mul3A_349 = arith.constant 128 : i32
      %mul3A_350 = arith.muli %add3A_342, %mul3A_349 : i32
      %dma_start3A_351 = tpu.memref_slice %arg6[%mul3A_350] : memref<25600xf32, #tpu.memory_space<vmem>> -> memref<128xf32, #tpu.memory_space<vmem>>
      %dma_start3A_352 = tpu.memref_slice %arg5[%shift_right_arithmetic3A_344, %mul3A_348] : memref<50x512xi32, #tpu.memory_space<vmem>> -> memref<1x128xi32, #tpu.memory_space<vmem>>
      %dma_start3A_353 = tpu.memref_squeeze %dma_start3A_352 : memref<1x128xi32, #tpu.memory_space<vmem>> -> memref<128xi32, #tpu.memory_space<vmem>>
      %dma_start3A_354 = arith.constant 0 : i32
      %dma_start3A_355 = tpu.memref_slice %arg8[%dma_start3A_354] : memref<100000xf32, #tpu.memory_space<vmem_shared>> -> memref<100000xf32, #tpu.memory_space<vmem_shared>>
      tpu.enqueue_indirect_dma source(%dma_start3A_355 : memref<100000xf32, #tpu.memory_space<vmem_shared>>) target(%dma_start3A_351 : memref<128xf32, #tpu.memory_space<vmem>>) offsets(%dma_start3A_353 : memref<128xi32, #tpu.memory_space<vmem>>) semaphore(%arg9 : memref<!tpu.dma_semaphore, #tpu.memory_space<semaphore_mem>>)
      %mul3A_356 = arith.constant 8 : i32
      %mul3A_357 = arith.muli %scan3A_272, %mul3A_356 : i32
      %add3A_358 = arith.constant 5 : i32
      %add3A_359 = arith.addi %mul3A_357, %add3A_358 : i32
      %shift_right_arithmetic3A_360 = arith.constant 2 : i32
      %shift_right_arithmetic3A_361 = arith.shrsi %add3A_359, %shift_right_arithmetic3A_360 : i32
      %and3A_362 = arith.constant 3 : i32
      %and3A_363 = arith.andi %add3A_359, %and3A_362 : i32
      %mul3A_364 = arith.constant 128 : i32
      %mul3A_365 = arith.muli %and3A_363, %mul3A_364 : i32
      %mul3A_366 = arith.constant 128 : i32
      %mul3A_367 = arith.muli %add3A_359, %mul3A_366 : i32
      %dma_start3A_368 = tpu.memref_slice %arg6[%mul3A_367] : memref<25600xf32, #tpu.memory_space<vmem>> -> memref<128xf32, #tpu.memory_space<vmem>>
      %dma_start3A_369 = tpu.memref_slice %arg5[%shift_right_arithmetic3A_361, %mul3A_365] : memref<50x512xi32, #tpu.memory_space<vmem>> -> memref<1x128xi32, #tpu.memory_space<vmem>>
      %dma_start3A_370 = tpu.memref_squeeze %dma_start3A_369 : memref<1x128xi32, #tpu.memory_space<vmem>> -> memref<128xi32, #tpu.memory_space<vmem>>
      %dma_start3A_371 = arith.constant 0 : i32
      %dma_start3A_372 = tpu.memref_slice %arg8[%dma_start3A_371] : memref<100000xf32, #tpu.memory_space<vmem_shared>> -> memref<100000xf32, #tpu.memory_space<vmem_shared>>
      tpu.enqueue_indirect_dma source(%dma_start3A_372 : memref<100000xf32, #tpu.memory_space<vmem_shared>>) target(%dma_start3A_368 : memref<128xf32, #tpu.memory_space<vmem>>) offsets(%dma_start3A_370 : memref<128xi32, #tpu.memory_space<vmem>>) semaphore(%arg9 : memref<!tpu.dma_semaphore, #tpu.memory_space<semaphore_mem>>)
      %mul3A_373 = arith.constant 8 : i32
      %mul3A_374 = arith.muli %scan3A_272, %mul3A_373 : i32
      %add3A_375 = arith.constant 6 : i32
      %add3A_376 = arith.addi %mul3A_374, %add3A_375 : i32
      %shift_right_arithmetic3A_377 = arith.constant 2 : i32
      %shift_right_arithmetic3A_378 = arith.shrsi %add3A_376, %shift_right_arithmetic3A_377 : i32
      %and3A_379 = arith.constant 3 : i32
      %and3A_380 = arith.andi %add3A_376, %and3A_379 : i32
      %mul3A_381 = arith.constant 128 : i32
      %mul3A_382 = arith.muli %and3A_380, %mul3A_381 : i32
      %mul3A_383 = arith.constant 128 : i32
      %mul3A_384 = arith.muli %add3A_376, %mul3A_383 : i32
      %dma_start3A_385 = tpu.memref_slice %arg6[%mul3A_384] : memref<25600xf32, #tpu.memory_space<vmem>> -> memref<128xf32, #tpu.memory_space<vmem>>
      %dma_start3A_386 = tpu.memref_slice %arg5[%shift_right_arithmetic3A_378, %mul3A_382] : memref<50x512xi32, #tpu.memory_space<vmem>> -> memref<1x128xi32, #tpu.memory_space<vmem>>
      %dma_start3A_387 = tpu.memref_squeeze %dma_start3A_386 : memref<1x128xi32, #tpu.memory_space<vmem>> -> memref<128xi32, #tpu.memory_space<vmem>>
      %dma_start3A_388 = arith.constant 0 : i32
      %dma_start3A_389 = tpu.memref_slice %arg8[%dma_start3A_388] : memref<100000xf32, #tpu.memory_space<vmem_shared>> -> memref<100000xf32, #tpu.memory_space<vmem_shared>>
      tpu.enqueue_indirect_dma source(%dma_start3A_389 : memref<100000xf32, #tpu.memory_space<vmem_shared>>) target(%dma_start3A_385 : memref<128xf32, #tpu.memory_space<vmem>>) offsets(%dma_start3A_387 : memref<128xi32, #tpu.memory_space<vmem>>) semaphore(%arg9 : memref<!tpu.dma_semaphore, #tpu.memory_space<semaphore_mem>>)
      %mul3A_390 = arith.constant 8 : i32
      %mul3A_391 = arith.muli %scan3A_272, %mul3A_390 : i32
      %add3A_392 = arith.constant 7 : i32
      %add3A_393 = arith.addi %mul3A_391, %add3A_392 : i32
      %shift_right_arithmetic3A_394 = arith.constant 2 : i32
      %shift_right_arithmetic3A_395 = arith.shrsi %add3A_393, %shift_right_arithmetic3A_394 : i32
      %and3A_396 = arith.constant 3 : i32
      %and3A_397 = arith.andi %add3A_393, %and3A_396 : i32
      %mul3A_398 = arith.constant 128 : i32
      %mul3A_399 = arith.muli %and3A_397, %mul3A_398 : i32
      %mul3A_400 = arith.constant 128 : i32
      %mul3A_401 = arith.muli %add3A_393, %mul3A_400 : i32
      %dma_start3A_402 = tpu.memref_slice %arg6[%mul3A_401] : memref<25600xf32, #tpu.memory_space<vmem>> -> memref<128xf32, #tpu.memory_space<vmem>>
      %dma_start3A_403 = tpu.memref_slice %arg5[%shift_right_arithmetic3A_395, %mul3A_399] : memref<50x512xi32, #tpu.memory_space<vmem>> -> memref<1x128xi32, #tpu.memory_space<vmem>>
      %dma_start3A_404 = tpu.memref_squeeze %dma_start3A_403 : memref<1x128xi32, #tpu.memory_space<vmem>> -> memref<128xi32, #tpu.memory_space<vmem>>
      %dma_start3A_405 = arith.constant 0 : i32
      %dma_start3A_406 = tpu.memref_slice %arg8[%dma_start3A_405] : memref<100000xf32, #tpu.memory_space<vmem_shared>> -> memref<100000xf32, #tpu.memory_space<vmem_shared>>
      tpu.enqueue_indirect_dma source(%dma_start3A_406 : memref<100000xf32, #tpu.memory_space<vmem_shared>>) target(%dma_start3A_402 : memref<128xf32, #tpu.memory_space<vmem>>) offsets(%dma_start3A_404 : memref<128xi32, #tpu.memory_space<vmem>>) semaphore(%arg9 : memref<!tpu.dma_semaphore, #tpu.memory_space<semaphore_mem>>)
      %dma_wait3A_407 = arith.constant 0 : i32
      %dma_wait3A_408 = tpu.memref_slice %arg6[%dma_wait3A_407] : memref<25600xf32, #tpu.memory_space<vmem>> -> memref<128xf32, #tpu.memory_space<vmem>>
      %dma_wait3A_409 = arith.constant 0 : i32
      %dma_wait3A_410 = tpu.memref_slice %arg3[%dma_wait3A_409] : memref<100000xf32, #tpu.memory_space<hbm>> -> memref<128xf32, #tpu.memory_space<hbm>>
      %dma_wait3A_411 = arith.constant 0 : i32
      %dma_wait3A_412 = tpu.memref_slice %arg6[%dma_wait3A_411] : memref<25600xf32, #tpu.memory_space<vmem>> -> memref<128xf32, #tpu.memory_space<vmem>>
      %dma_wait3A_413 = arith.constant 0 : i32
      %dma_wait3A_414 = tpu.memref_slice %arg3[%dma_wait3A_413] : memref<100000xf32, #tpu.memory_space<hbm>> -> memref<128xf32, #tpu.memory_space<hbm>>
      tpu.wait_dma2 semaphore(%arg9 : memref<!tpu.dma_semaphore, #tpu.memory_space<semaphore_mem>>) src(%dma_wait3A_414 : memref<128xf32, #tpu.memory_space<hbm>>) dst(%dma_wait3A_412 : memref<128xf32, #tpu.memory_space<vmem>>)
      %dma_wait3A_415 = arith.constant 128 : i32
      %dma_wait3A_416 = tpu.memref_slice %arg6[%dma_wait3A_415] : memref<25600xf32, #tpu.memory_space<vmem>> -> memref<128xf32, #tpu.memory_space<vmem>>
      %dma_wait3A_417 = arith.constant 0 : i32
      %dma_wait3A_418 = tpu.memref_slice %arg3[%dma_wait3A_417] : memref<100000xf32, #tpu.memory_space<hbm>> -> memref<128xf32, #tpu.memory_space<hbm>>
      %dma_wait3A_419 = arith.constant 128 : i32
      %dma_wait3A_420 = tpu.memref_slice %arg6[%dma_wait3A_419] : memref<25600xf32, #tpu.memory_space<vmem>> -> memref<128xf32, #tpu.memory_space<vmem>>
      %dma_wait3A_421 = arith.constant 0 : i32
      %dma_wait3A_422 = tpu.memref_slice %arg3[%dma_wait3A_421] : memref<100000xf32, #tpu.memory_space<hbm>> -> memref<128xf32, #tpu.memory_space<hbm>>
      tpu.wait_dma2 semaphore(%arg9 : memref<!tpu.dma_semaphore, #tpu.memory_space<semaphore_mem>>) src(%dma_wait3A_422 : memref<128xf32, #tpu.memory_space<hbm>>) dst(%dma_wait3A_420 : memref<128xf32, #tpu.memory_space<vmem>>)
      %dma_wait3A_423 = arith.constant 256 : i32
      %dma_wait3A_424 = tpu.memref_slice %arg6[%dma_wait3A_423] : memref<25600xf32, #tpu.memory_space<vmem>> -> memref<128xf32, #tpu.memory_space<vmem>>
      %dma_wait3A_425 = arith.constant 0 : i32
      %dma_wait3A_426 = tpu.memref_slice %arg3[%dma_wait3A_425] : memref<100000xf32, #tpu.memory_space<hbm>> -> memref<128xf32, #tpu.memory_space<hbm>>
      %dma_wait3A_427 = arith.constant 256 : i32
      %dma_wait3A_428 = tpu.memref_slice %arg6[%dma_wait3A_427] : memref<25600xf32, #tpu.memory_space<vmem>> -> memref<128xf32, #tpu.memory_space<vmem>>
      %dma_wait3A_429 = arith.constant 0 : i32
      %dma_wait3A_430 = tpu.memref_slice %arg3[%dma_wait3A_429] : memref<100000xf32, #tpu.memory_space<hbm>> -> memref<128xf32, #tpu.memory_space<hbm>>
      tpu.wait_dma2 semaphore(%arg9 : memref<!tpu.dma_semaphore, #tpu.memory_space<semaphore_mem>>) src(%dma_wait3A_430 : memref<128xf32, #tpu.memory_space<hbm>>) dst(%dma_wait3A_428 : memref<128xf32, #tpu.memory_space<vmem>>)
      %dma_wait3A_431 = arith.constant 384 : i32
      %dma_wait3A_432 = tpu.memref_slice %arg6[%dma_wait3A_431] : memref<25600xf32, #tpu.memory_space<vmem>> -> memref<128xf32, #tpu.memory_space<vmem>>
      %dma_wait3A_433 = arith.constant 0 : i32
      %dma_wait3A_434 = tpu.memref_slice %arg3[%dma_wait3A_433] : memref<100000xf32, #tpu.memory_space<hbm>> -> memref<128xf32, #tpu.memory_space<hbm>>
      %dma_wait3A_435 = arith.constant 384 : i32
      %dma_wait3A_436 = tpu.memref_slice %arg6[%dma_wait3A_435] : memref<25600xf32, #tpu.memory_space<vmem>> -> memref<128xf32, #tpu.memory_space<vmem>>
      %dma_wait3A_437 = arith.constant 0 : i32
      %dma_wait3A_438 = tpu.memref_slice %arg3[%dma_wait3A_437] : memref<100000xf32, #tpu.memory_space<hbm>> -> memref<128xf32, #tpu.memory_space<hbm>>
      tpu.wait_dma2 semaphore(%arg9 : memref<!tpu.dma_semaphore, #tpu.memory_space<semaphore_mem>>) src(%dma_wait3A_438 : memref<128xf32, #tpu.memory_space<hbm>>) dst(%dma_wait3A_436 : memref<128xf32, #tpu.memory_space<vmem>>)
      %dma_wait3A_439 = arith.constant 512 : i32
      %dma_wait3A_440 = tpu.memref_slice %arg6[%dma_wait3A_439] : memref<25600xf32, #tpu.memory_space<vmem>> -> memref<128xf32, #tpu.memory_space<vmem>>
      %dma_wait3A_441 = arith.constant 0 : i32
      %dma_wait3A_442 = tpu.memref_slice %arg3[%dma_wait3A_441] : memref<100000xf32, #tpu.memory_space<hbm>> -> memref<128xf32, #tpu.memory_space<hbm>>
      %dma_wait3A_443 = arith.constant 512 : i32
      %dma_wait3A_444 = tpu.memref_slice %arg6[%dma_wait3A_443] : memref<25600xf32, #tpu.memory_space<vmem>> -> memref<128xf32, #tpu.memory_space<vmem>>
      %dma_wait3A_445 = arith.constant 0 : i32
      %dma_wait3A_446 = tpu.memref_slice %arg3[%dma_wait3A_445] : memref<100000xf32, #tpu.memory_space<hbm>> -> memref<128xf32, #tpu.memory_space<hbm>>
      tpu.wait_dma2 semaphore(%arg9 : memref<!tpu.dma_semaphore, #tpu.memory_space<semaphore_mem>>) src(%dma_wait3A_446 : memref<128xf32, #tpu.memory_space<hbm>>) dst(%dma_wait3A_444 : memref<128xf32, #tpu.memory_space<vmem>>)
      %dma_wait3A_447 = arith.constant 640 : i32
      %dma_wait3A_448 = tpu.memref_slice %arg6[%dma_wait3A_447] : memref<25600xf32, #tpu.memory_space<vmem>> -> memref<128xf32, #tpu.memory_space<vmem>>
      %dma_wait3A_449 = arith.constant 0 : i32
      %dma_wait3A_450 = tpu.memref_slice %arg3[%dma_wait3A_449] : memref<100000xf32, #tpu.memory_space<hbm>> -> memref<128xf32, #tpu.memory_space<hbm>>
      %dma_wait3A_451 = arith.constant 640 : i32
      %dma_wait3A_452 = tpu.memref_slice %arg6[%dma_wait3A_451] : memref<25600xf32, #tpu.memory_space<vmem>> -> memref<128xf32, #tpu.memory_space<vmem>>
      %dma_wait3A_453 = arith.constant 0 : i32
      %dma_wait3A_454 = tpu.memref_slice %arg3[%dma_wait3A_453] : memref<100000xf32, #tpu.memory_space<hbm>> -> memref<128xf32, #tpu.memory_space<hbm>>
      tpu.wait_dma2 semaphore(%arg9 : memref<!tpu.dma_semaphore, #tpu.memory_space<semaphore_mem>>) src(%dma_wait3A_454 : memref<128xf32, #tpu.memory_space<hbm>>) dst(%dma_wait3A_452 : memref<128xf32, #tpu.memory_space<vmem>>)
      %dma_wait3A_455 = arith.constant 768 : i32
      %dma_wait3A_456 = tpu.memref_slice %arg6[%dma_wait3A_455] : memref<25600xf32, #tpu.memory_space<vmem>> -> memref<128xf32, #tpu.memory_space<vmem>>
      %dma_wait3A_457 = arith.constant 0 : i32
      %dma_wait3A_458 = tpu.memref_slice %arg3[%dma_wait3A_457] : memref<100000xf32, #tpu.memory_space<hbm>> -> memref<128xf32, #tpu.memory_space<hbm>>
      %dma_wait3A_459 = arith.constant 768 : i32
      %dma_wait3A_460 = tpu.memref_slice %arg6[%dma_wait3A_459] : memref<25600xf32, #tpu.memory_space<vmem>> -> memref<128xf32, #tpu.memory_space<vmem>>
      %dma_wait3A_461 = arith.constant 0 : i32
      %dma_wait3A_462 = tpu.memref_slice %arg3[%dma_wait3A_461] : memref<100000xf32, #tpu.memory_space<hbm>> -> memref<128xf32, #tpu.memory_space<hbm>>
      tpu.wait_dma2 semaphore(%arg9 : memref<!tpu.dma_semaphore, #tpu.memory_space<semaphore_mem>>) src(%dma_wait3A_462 : memref<128xf32, #tpu.memory_space<hbm>>) dst(%dma_wait3A_460 : memref<128xf32, #tpu.memory_space<vmem>>)
      %dma_wait3A_463 = arith.constant 896 : i32
      %dma_wait3A_464 = tpu.memref_slice %arg6[%dma_wait3A_463] : memref<25600xf32, #tpu.memory_space<vmem>> -> memref<128xf32, #tpu.memory_space<vmem>>
      %dma_wait3A_465 = arith.constant 0 : i32
      %dma_wait3A_466 = tpu.memref_slice %arg3[%dma_wait3A_465] : memref<100000xf32, #tpu.memory_space<hbm>> -> memref<128xf32, #tpu.memory_space<hbm>>
      %dma_wait3A_467 = arith.constant 896 : i32
      %dma_wait3A_468 = tpu.memref_slice %arg6[%dma_wait3A_467] : memref<25600xf32, #tpu.memory_space<vmem>> -> memref<128xf32, #tpu.memory_space<vmem>>
      %dma_wait3A_469 = arith.constant 0 : i32
      %dma_wait3A_470 = tpu.memref_slice %arg3[%dma_wait3A_469] : memref<100000xf32, #tpu.memory_space<hbm>> -> memref<128xf32, #tpu.memory_space<hbm>>
      tpu.wait_dma2 semaphore(%arg9 : memref<!tpu.dma_semaphore, #tpu.memory_space<semaphore_mem>>) src(%dma_wait3A_470 : memref<128xf32, #tpu.memory_space<hbm>>) dst(%dma_wait3A_468 : memref<128xf32, #tpu.memory_space<vmem>>)
    }
    %scan3A_136 = arith.constant 23 : i32
    %dma_wait3A = arith.constant 0 : i32
    %dma_wait3A_137 = tpu.memref_slice %arg6[%dma_wait3A] : memref<25600xf32, #tpu.memory_space<vmem>> -> memref<128xf32, #tpu.memory_space<vmem>>
    %dma_wait3A_138 = arith.constant 0 : i32
    %dma_wait3A_139 = tpu.memref_slice %arg3[%dma_wait3A_138] : memref<100000xf32, #tpu.memory_space<hbm>> -> memref<128xf32, #tpu.memory_space<hbm>>
    %dma_wait3A_140 = arith.constant 0 : i32
    %dma_wait3A_141 = tpu.memref_slice %arg6[%dma_wait3A_140] : memref<25600xf32, #tpu.memory_space<vmem>> -> memref<128xf32, #tpu.memory_space<vmem>>
    %dma_wait3A_142 = arith.constant 0 : i32
    %dma_wait3A_143 = tpu.memref_slice %arg3[%dma_wait3A_142] : memref<100000xf32, #tpu.memory_space<hbm>> -> memref<128xf32, #tpu.memory_space<hbm>>
    tpu.wait_dma2 semaphore(%arg9 : memref<!tpu.dma_semaphore, #tpu.memory_space<semaphore_mem>>) src(%dma_wait3A_143 : memref<128xf32, #tpu.memory_space<hbm>>) dst(%dma_wait3A_141 : memref<128xf32, #tpu.memory_space<vmem>>)
    %dma_wait3A_144 = arith.constant 128 : i32
    %dma_wait3A_145 = tpu.memref_slice %arg6[%dma_wait3A_144] : memref<25600xf32, #tpu.memory_space<vmem>> -> memref<128xf32, #tpu.memory_space<vmem>>
    %dma_wait3A_146 = arith.constant 0 : i32
    %dma_wait3A_147 = tpu.memref_slice %arg3[%dma_wait3A_146] : memref<100000xf32, #tpu.memory_space<hbm>> -> memref<128xf32, #tpu.memory_space<hbm>>
    %dma_wait3A_148 = arith.constant 128 : i32
    %dma_wait3A_149 = tpu.memref_slice %arg6[%dma_wait3A_148] : memref<25600xf32, #tpu.memory_space<vmem>> -> memref<128xf32, #tpu.memory_space<vmem>>
    %dma_wait3A_150 = arith.constant 0 : i32
    %dma_wait3A_151 = tpu.memref_slice %arg3[%dma_wait3A_150] : memref<100000xf32, #tpu.memory_space<hbm>> -> memref<128xf32, #tpu.memory_space<hbm>>
    tpu.wait_dma2 semaphore(%arg9 : memref<!tpu.dma_semaphore, #tpu.memory_space<semaphore_mem>>) src(%dma_wait3A_151 : memref<128xf32, #tpu.memory_space<hbm>>) dst(%dma_wait3A_149 : memref<128xf32, #tpu.memory_space<vmem>>)
    %dma_wait3A_152 = arith.constant 256 : i32
    %dma_wait3A_153 = tpu.memref_slice %arg6[%dma_wait3A_152] : memref<25600xf32, #tpu.memory_space<vmem>> -> memref<128xf32, #tpu.memory_space<vmem>>
    %dma_wait3A_154 = arith.constant 0 : i32
    %dma_wait3A_155 = tpu.memref_slice %arg3[%dma_wait3A_154] : memref<100000xf32, #tpu.memory_space<hbm>> -> memref<128xf32, #tpu.memory_space<hbm>>
    %dma_wait3A_156 = arith.constant 256 : i32
    %dma_wait3A_157 = tpu.memref_slice %arg6[%dma_wait3A_156] : memref<25600xf32, #tpu.memory_space<vmem>> -> memref<128xf32, #tpu.memory_space<vmem>>
    %dma_wait3A_158 = arith.constant 0 : i32
    %dma_wait3A_159 = tpu.memref_slice %arg3[%dma_wait3A_158] : memref<100000xf32, #tpu.memory_space<hbm>> -> memref<128xf32, #tpu.memory_space<hbm>>
    tpu.wait_dma2 semaphore(%arg9 : memref<!tpu.dma_semaphore, #tpu.memory_space<semaphore_mem>>) src(%dma_wait3A_159 : memref<128xf32, #tpu.memory_space<hbm>>) dst(%dma_wait3A_157 : memref<128xf32, #tpu.memory_space<vmem>>)
    %dma_wait3A_160 = arith.constant 384 : i32
    %dma_wait3A_161 = tpu.memref_slice %arg6[%dma_wait3A_160] : memref<25600xf32, #tpu.memory_space<vmem>> -> memref<128xf32, #tpu.memory_space<vmem>>
    %dma_wait3A_162 = arith.constant 0 : i32
    %dma_wait3A_163 = tpu.memref_slice %arg3[%dma_wait3A_162] : memref<100000xf32, #tpu.memory_space<hbm>> -> memref<128xf32, #tpu.memory_space<hbm>>
    %dma_wait3A_164 = arith.constant 384 : i32
    %dma_wait3A_165 = tpu.memref_slice %arg6[%dma_wait3A_164] : memref<25600xf32, #tpu.memory_space<vmem>> -> memref<128xf32, #tpu.memory_space<vmem>>
    %dma_wait3A_166 = arith.constant 0 : i32
    %dma_wait3A_167 = tpu.memref_slice %arg3[%dma_wait3A_166] : memref<100000xf32, #tpu.memory_space<hbm>> -> memref<128xf32, #tpu.memory_space<hbm>>
    tpu.wait_dma2 semaphore(%arg9 : memref<!tpu.dma_semaphore, #tpu.memory_space<semaphore_mem>>) src(%dma_wait3A_167 : memref<128xf32, #tpu.memory_space<hbm>>) dst(%dma_wait3A_165 : memref<128xf32, #tpu.memory_space<vmem>>)
    %dma_wait3A_168 = arith.constant 512 : i32
    %dma_wait3A_169 = tpu.memref_slice %arg6[%dma_wait3A_168] : memref<25600xf32, #tpu.memory_space<vmem>> -> memref<128xf32, #tpu.memory_space<vmem>>
    %dma_wait3A_170 = arith.constant 0 : i32
    %dma_wait3A_171 = tpu.memref_slice %arg3[%dma_wait3A_170] : memref<100000xf32, #tpu.memory_space<hbm>> -> memref<128xf32, #tpu.memory_space<hbm>>
    %dma_wait3A_172 = arith.constant 512 : i32
    %dma_wait3A_173 = tpu.memref_slice %arg6[%dma_wait3A_172] : memref<25600xf32, #tpu.memory_space<vmem>> -> memref<128xf32, #tpu.memory_space<vmem>>
    %dma_wait3A_174 = arith.constant 0 : i32
    %dma_wait3A_175 = tpu.memref_slice %arg3[%dma_wait3A_174] : memref<100000xf32, #tpu.memory_space<hbm>> -> memref<128xf32, #tpu.memory_space<hbm>>
    tpu.wait_dma2 semaphore(%arg9 : memref<!tpu.dma_semaphore, #tpu.memory_space<semaphore_mem>>) src(%dma_wait3A_175 : memref<128xf32, #tpu.memory_space<hbm>>) dst(%dma_wait3A_173 : memref<128xf32, #tpu.memory_space<vmem>>)
    %dma_wait3A_176 = arith.constant 640 : i32
    %dma_wait3A_177 = tpu.memref_slice %arg6[%dma_wait3A_176] : memref<25600xf32, #tpu.memory_space<vmem>> -> memref<128xf32, #tpu.memory_space<vmem>>
    %dma_wait3A_178 = arith.constant 0 : i32
    %dma_wait3A_179 = tpu.memref_slice %arg3[%dma_wait3A_178] : memref<100000xf32, #tpu.memory_space<hbm>> -> memref<128xf32, #tpu.memory_space<hbm>>
    %dma_wait3A_180 = arith.constant 640 : i32
    %dma_wait3A_181 = tpu.memref_slice %arg6[%dma_wait3A_180] : memref<25600xf32, #tpu.memory_space<vmem>> -> memref<128xf32, #tpu.memory_space<vmem>>
    %dma_wait3A_182 = arith.constant 0 : i32
    %dma_wait3A_183 = tpu.memref_slice %arg3[%dma_wait3A_182] : memref<100000xf32, #tpu.memory_space<hbm>> -> memref<128xf32, #tpu.memory_space<hbm>>
    tpu.wait_dma2 semaphore(%arg9 : memref<!tpu.dma_semaphore, #tpu.memory_space<semaphore_mem>>) src(%dma_wait3A_183 : memref<128xf32, #tpu.memory_space<hbm>>) dst(%dma_wait3A_181 : memref<128xf32, #tpu.memory_space<vmem>>)
    %dma_wait3A_184 = arith.constant 768 : i32
    %dma_wait3A_185 = tpu.memref_slice %arg6[%dma_wait3A_184] : memref<25600xf32, #tpu.memory_space<vmem>> -> memref<128xf32, #tpu.memory_space<vmem>>
    %dma_wait3A_186 = arith.constant 0 : i32
    %dma_wait3A_187 = tpu.memref_slice %arg3[%dma_wait3A_186] : memref<100000xf32, #tpu.memory_space<hbm>> -> memref<128xf32, #tpu.memory_space<hbm>>
    %dma_wait3A_188 = arith.constant 768 : i32
    %dma_wait3A_189 = tpu.memref_slice %arg6[%dma_wait3A_188] : memref<25600xf32, #tpu.memory_space<vmem>> -> memref<128xf32, #tpu.memory_space<vmem>>
    %dma_wait3A_190 = arith.constant 0 : i32
    %dma_wait3A_191 = tpu.memref_slice %arg3[%dma_wait3A_190] : memref<100000xf32, #tpu.memory_space<hbm>> -> memref<128xf32, #tpu.memory_space<hbm>>
    tpu.wait_dma2 semaphore(%arg9 : memref<!tpu.dma_semaphore, #tpu.memory_space<semaphore_mem>>) src(%dma_wait3A_191 : memref<128xf32, #tpu.memory_space<hbm>>) dst(%dma_wait3A_189 : memref<128xf32, #tpu.memory_space<vmem>>)
    %dma_wait3A_192 = arith.constant 896 : i32
    %dma_wait3A_193 = tpu.memref_slice %arg6[%dma_wait3A_192] : memref<25600xf32, #tpu.memory_space<vmem>> -> memref<128xf32, #tpu.memory_space<vmem>>
    %dma_wait3A_194 = arith.constant 0 : i32
    %dma_wait3A_195 = tpu.memref_slice %arg3[%dma_wait3A_194] : memref<100000xf32, #tpu.memory_space<hbm>> -> memref<128xf32, #tpu.memory_space<hbm>>
    %dma_wait3A_196 = arith.constant 896 : i32
    %dma_wait3A_197 = tpu.memref_slice %arg6[%dma_wait3A_196] : memref<25600xf32, #tpu.memory_space<vmem>> -> memref<128xf32, #tpu.memory_space<vmem>>
    %dma_wait3A_198 = arith.constant 0 : i32
    %dma_wait3A_199 = tpu.memref_slice %arg3[%dma_wait3A_198] : memref<100000xf32, #tpu.memory_space<hbm>> -> memref<128xf32, #tpu.memory_space<hbm>>
    tpu.wait_dma2 semaphore(%arg9 : memref<!tpu.dma_semaphore, #tpu.memory_space<semaphore_mem>>) src(%dma_wait3A_199 : memref<128xf32, #tpu.memory_space<hbm>>) dst(%dma_wait3A_197 : memref<128xf32, #tpu.memory_space<vmem>>)
    %dma_wait3A_200 = arith.constant 0 : i32
    %dma_wait3A_201 = tpu.memref_slice %arg6[%dma_wait3A_200] : memref<25600xf32, #tpu.memory_space<vmem>> -> memref<128xf32, #tpu.memory_space<vmem>>
    %dma_wait3A_202 = arith.constant 0 : i32
    %dma_wait3A_203 = tpu.memref_slice %arg3[%dma_wait3A_202] : memref<100000xf32, #tpu.memory_space<hbm>> -> memref<128xf32, #tpu.memory_space<hbm>>
    %dma_wait3A_204 = arith.constant 0 : i32
    %dma_wait3A_205 = tpu.memref_slice %arg6[%dma_wait3A_204] : memref<25600xf32, #tpu.memory_space<vmem>> -> memref<128xf32, #tpu.memory_space<vmem>>
    %dma_wait3A_206 = arith.constant 0 : i32
    %dma_wait3A_207 = tpu.memref_slice %arg3[%dma_wait3A_206] : memref<100000xf32, #tpu.memory_space<hbm>> -> memref<128xf32, #tpu.memory_space<hbm>>
    tpu.wait_dma2 semaphore(%arg9 : memref<!tpu.dma_semaphore, #tpu.memory_space<semaphore_mem>>) src(%dma_wait3A_207 : memref<128xf32, #tpu.memory_space<hbm>>) dst(%dma_wait3A_205 : memref<128xf32, #tpu.memory_space<vmem>>)
    %dma_wait3A_208 = arith.constant 128 : i32
    %dma_wait3A_209 = tpu.memref_slice %arg6[%dma_wait3A_208] : memref<25600xf32, #tpu.memory_space<vmem>> -> memref<128xf32, #tpu.memory_space<vmem>>
    %dma_wait3A_210 = arith.constant 0 : i32
    %dma_wait3A_211 = tpu.memref_slice %arg3[%dma_wait3A_210] : memref<100000xf32, #tpu.memory_space<hbm>> -> memref<128xf32, #tpu.memory_space<hbm>>
    %dma_wait3A_212 = arith.constant 128 : i32
    %dma_wait3A_213 = tpu.memref_slice %arg6[%dma_wait3A_212] : memref<25600xf32, #tpu.memory_space<vmem>> -> memref<128xf32, #tpu.memory_space<vmem>>
    %dma_wait3A_214 = arith.constant 0 : i32
    %dma_wait3A_215 = tpu.memref_slice %arg3[%dma_wait3A_214] : memref<100000xf32, #tpu.memory_space<hbm>> -> memref<128xf32, #tpu.memory_space<hbm>>
    tpu.wait_dma2 semaphore(%arg9 : memref<!tpu.dma_semaphore, #tpu.memory_space<semaphore_mem>>) src(%dma_wait3A_215 : memref<128xf32, #tpu.memory_space<hbm>>) dst(%dma_wait3A_213 : memref<128xf32, #tpu.memory_space<vmem>>)
    %dma_wait3A_216 = arith.constant 256 : i32
    %dma_wait3A_217 = tpu.memref_slice %arg6[%dma_wait3A_216] : memref<25600xf32, #tpu.memory_space<vmem>> -> memref<128xf32, #tpu.memory_space<vmem>>
    %dma_wait3A_218 = arith.constant 0 : i32
    %dma_wait3A_219 = tpu.memref_slice %arg3[%dma_wait3A_218] : memref<100000xf32, #tpu.memory_space<hbm>> -> memref<128xf32, #tpu.memory_space<hbm>>
    %dma_wait3A_220 = arith.constant 256 : i32
    %dma_wait3A_221 = tpu.memref_slice %arg6[%dma_wait3A_220] : memref<25600xf32, #tpu.memory_space<vmem>> -> memref<128xf32, #tpu.memory_space<vmem>>
    %dma_wait3A_222 = arith.constant 0 : i32
    %dma_wait3A_223 = tpu.memref_slice %arg3[%dma_wait3A_222] : memref<100000xf32, #tpu.memory_space<hbm>> -> memref<128xf32, #tpu.memory_space<hbm>>
    tpu.wait_dma2 semaphore(%arg9 : memref<!tpu.dma_semaphore, #tpu.memory_space<semaphore_mem>>) src(%dma_wait3A_223 : memref<128xf32, #tpu.memory_space<hbm>>) dst(%dma_wait3A_221 : memref<128xf32, #tpu.memory_space<vmem>>)
    %dma_wait3A_224 = arith.constant 384 : i32
    %dma_wait3A_225 = tpu.memref_slice %arg6[%dma_wait3A_224] : memref<25600xf32, #tpu.memory_space<vmem>> -> memref<128xf32, #tpu.memory_space<vmem>>
    %dma_wait3A_226 = arith.constant 0 : i32
    %dma_wait3A_227 = tpu.memref_slice %arg3[%dma_wait3A_226] : memref<100000xf32, #tpu.memory_space<hbm>> -> memref<128xf32, #tpu.memory_space<hbm>>
    %dma_wait3A_228 = arith.constant 384 : i32
    %dma_wait3A_229 = tpu.memref_slice %arg6[%dma_wait3A_228] : memref<25600xf32, #tpu.memory_space<vmem>> -> memref<128xf32, #tpu.memory_space<vmem>>
    %dma_wait3A_230 = arith.constant 0 : i32
    %dma_wait3A_231 = tpu.memref_slice %arg3[%dma_wait3A_230] : memref<100000xf32, #tpu.memory_space<hbm>> -> memref<128xf32, #tpu.memory_space<hbm>>
    tpu.wait_dma2 semaphore(%arg9 : memref<!tpu.dma_semaphore, #tpu.memory_space<semaphore_mem>>) src(%dma_wait3A_231 : memref<128xf32, #tpu.memory_space<hbm>>) dst(%dma_wait3A_229 : memref<128xf32, #tpu.memory_space<vmem>>)
    %dma_wait3A_232 = arith.constant 512 : i32
    %dma_wait3A_233 = tpu.memref_slice %arg6[%dma_wait3A_232] : memref<25600xf32, #tpu.memory_space<vmem>> -> memref<128xf32, #tpu.memory_space<vmem>>
    %dma_wait3A_234 = arith.constant 0 : i32
    %dma_wait3A_235 = tpu.memref_slice %arg3[%dma_wait3A_234] : memref<100000xf32, #tpu.memory_space<hbm>> -> memref<128xf32, #tpu.memory_space<hbm>>
    %dma_wait3A_236 = arith.constant 512 : i32
    %dma_wait3A_237 = tpu.memref_slice %arg6[%dma_wait3A_236] : memref<25600xf32, #tpu.memory_space<vmem>> -> memref<128xf32, #tpu.memory_space<vmem>>
    %dma_wait3A_238 = arith.constant 0 : i32
    %dma_wait3A_239 = tpu.memref_slice %arg3[%dma_wait3A_238] : memref<100000xf32, #tpu.memory_space<hbm>> -> memref<128xf32, #tpu.memory_space<hbm>>
    tpu.wait_dma2 semaphore(%arg9 : memref<!tpu.dma_semaphore, #tpu.memory_space<semaphore_mem>>) src(%dma_wait3A_239 : memref<128xf32, #tpu.memory_space<hbm>>) dst(%dma_wait3A_237 : memref<128xf32, #tpu.memory_space<vmem>>)
    %dma_wait3A_240 = arith.constant 640 : i32
    %dma_wait3A_241 = tpu.memref_slice %arg6[%dma_wait3A_240] : memref<25600xf32, #tpu.memory_space<vmem>> -> memref<128xf32, #tpu.memory_space<vmem>>
    %dma_wait3A_242 = arith.constant 0 : i32
    %dma_wait3A_243 = tpu.memref_slice %arg3[%dma_wait3A_242] : memref<100000xf32, #tpu.memory_space<hbm>> -> memref<128xf32, #tpu.memory_space<hbm>>
    %dma_wait3A_244 = arith.constant 640 : i32
    %dma_wait3A_245 = tpu.memref_slice %arg6[%dma_wait3A_244] : memref<25600xf32, #tpu.memory_space<vmem>> -> memref<128xf32, #tpu.memory_space<vmem>>
    %dma_wait3A_246 = arith.constant 0 : i32
    %dma_wait3A_247 = tpu.memref_slice %arg3[%dma_wait3A_246] : memref<100000xf32, #tpu.memory_space<hbm>> -> memref<128xf32, #tpu.memory_space<hbm>>
    tpu.wait_dma2 semaphore(%arg9 : memref<!tpu.dma_semaphore, #tpu.memory_space<semaphore_mem>>) src(%dma_wait3A_247 : memref<128xf32, #tpu.memory_space<hbm>>) dst(%dma_wait3A_245 : memref<128xf32, #tpu.memory_space<vmem>>)
    %dma_wait3A_248 = arith.constant 768 : i32
    %dma_wait3A_249 = tpu.memref_slice %arg6[%dma_wait3A_248] : memref<25600xf32, #tpu.memory_space<vmem>> -> memref<128xf32, #tpu.memory_space<vmem>>
    %dma_wait3A_250 = arith.constant 0 : i32
    %dma_wait3A_251 = tpu.memref_slice %arg3[%dma_wait3A_250] : memref<100000xf32, #tpu.memory_space<hbm>> -> memref<128xf32, #tpu.memory_space<hbm>>
    %dma_wait3A_252 = arith.constant 768 : i32
    %dma_wait3A_253 = tpu.memref_slice %arg6[%dma_wait3A_252] : memref<25600xf32, #tpu.memory_space<vmem>> -> memref<128xf32, #tpu.memory_space<vmem>>
    %dma_wait3A_254 = arith.constant 0 : i32
    %dma_wait3A_255 = tpu.memref_slice %arg3[%dma_wait3A_254] : memref<100000xf32, #tpu.memory_space<hbm>> -> memref<128xf32, #tpu.memory_space<hbm>>
    tpu.wait_dma2 semaphore(%arg9 : memref<!tpu.dma_semaphore, #tpu.memory_space<semaphore_mem>>) src(%dma_wait3A_255 : memref<128xf32, #tpu.memory_space<hbm>>) dst(%dma_wait3A_253 : memref<128xf32, #tpu.memory_space<vmem>>)
    %dma_wait3A_256 = arith.constant 896 : i32
    %dma_wait3A_257 = tpu.memref_slice %arg6[%dma_wait3A_256] : memref<25600xf32, #tpu.memory_space<vmem>> -> memref<128xf32, #tpu.memory_space<vmem>>
    %dma_wait3A_258 = arith.constant 0 : i32
    %dma_wait3A_259 = tpu.memref_slice %arg3[%dma_wait3A_258] : memref<100000xf32, #tpu.memory_space<hbm>> -> memref<128xf32, #tpu.memory_space<hbm>>
    %dma_wait3A_260 = arith.constant 896 : i32
    %dma_wait3A_261 = tpu.memref_slice %arg6[%dma_wait3A_260] : memref<25600xf32, #tpu.memory_space<vmem>> -> memref<128xf32, #tpu.memory_space<vmem>>
    %dma_wait3A_262 = arith.constant 0 : i32
    %dma_wait3A_263 = tpu.memref_slice %arg3[%dma_wait3A_262] : memref<100000xf32, #tpu.memory_space<hbm>> -> memref<128xf32, #tpu.memory_space<hbm>>
    tpu.wait_dma2 semaphore(%arg9 : memref<!tpu.dma_semaphore, #tpu.memory_space<semaphore_mem>>) src(%dma_wait3A_263 : memref<128xf32, #tpu.memory_space<hbm>>) dst(%dma_wait3A_261 : memref<128xf32, #tpu.memory_space<vmem>>)
    %scan3A_264 = arith.constant 0 : i32
    %scan3A_265 = arith.constant 0 : i32
    %scan3A_266 = arith.constant 32 : i32
    %scan3A_267 = arith.addi %scan3A_265, %scan3A_266 : i32
    %scan3A_268 = arith.constant 1 : i32
    scf.for %scan3A_272 = %scan3A_265 to %scan3A_267 step %scan3A_268  : i32 {
      %broadcast_in_dim3A = arith.constant 0.000000e+00 : f32
      %broadcast_in_dim3A_273 = vector.broadcast %broadcast_in_dim3A : f32 to vector<16xf32>
      %mul3A_274 = arith.constant 16 : i32
      %mul3A_275 = arith.muli %scan3A_272, %mul3A_274 : i32
      %add3A_276 = arith.constant 0 : i32
      %add3A_277 = arith.addi %add3A_276, %mul3A_275 : i32
      %get3A = arith.index_cast %add3A_277 : i32 to index
      %get3A_278 = tpu.vector_load %arg6[%get3A] {strides = array<i32>} : memref<25600xf32, #tpu.memory_space<vmem>>, vector<16xf32>,
      %get3A_279 = vector.shape_cast %get3A_278 : vector<16xf32> to vector<16xf32>
      %add3A_280 = arith.addf %broadcast_in_dim3A_273, %get3A_279 : vector<16xf32>
      %mul3A_281 = arith.constant 16 : i32
      %mul3A_282 = arith.muli %scan3A_272, %mul3A_281 : i32
      %add3A_283 = arith.constant 512 : i32
      %add3A_284 = arith.addi %add3A_283, %mul3A_282 : i32
      %get3A_285 = arith.index_cast %add3A_284 : i32 to index
      %get3A_286 = tpu.vector_load %arg6[%get3A_285] {strides = array<i32>} : memref<25600xf32, #tpu.memory_space<vmem>>, vector<16xf32>,
      %get3A_287 = vector.shape_cast %get3A_286 : vector<16xf32> to vector<16xf32>
      %add3A_288 = arith.addf %add3A_280, %get3A_287 : vector<16xf32>
      %mul3A_289 = arith.constant 16 : i32
      %mul3A_290 = arith.muli %scan3A_272, %mul3A_289 : i32
      %add3A_291 = arith.constant 1024 : i32
      %add3A_292 = arith.addi %add3A_291, %mul3A_290 : i32
      %get3A_293 = arith.index_cast %add3A_292 : i32 to index
      %get3A_294 = tpu.vector_load %arg6[%get3A_293] {strides = array<i32>} : memref<25600xf32, #tpu.memory_space<vmem>>, vector<16xf32>,
      %get3A_295 = vector.shape_cast %get3A_294 : vector<16xf32> to vector<16xf32>
      %add3A_296 = arith.addf %add3A_288, %get3A_295 : vector<16xf32>
      %mul3A_297 = arith.constant 16 : i32
      %mul3A_298 = arith.muli %scan3A_272, %mul3A_297 : i32
      %add3A_299 = arith.constant 1536 : i32
      %add3A_300 = arith.addi %add3A_299, %mul3A_298 : i32
      %get3A_301 = arith.index_cast %add3A_300 : i32 to index
      %get3A_302 = tpu.vector_load %arg6[%get3A_301] {strides = array<i32>} : memref<25600xf32, #tpu.memory_space<vmem>>, vector<16xf32>,
      %get3A_303 = vector.shape_cast %get3A_302 : vector<16xf32> to vector<16xf32>
      %add3A_304 = arith.addf %add3A_296, %get3A_303 : vector<16xf32>
      %mul3A_305 = arith.constant 16 : i32
      %mul3A_306 = arith.muli %scan3A_272, %mul3A_305 : i32
      %add3A_307 = arith.constant 2048 : i32
      %add3A_308 = arith.addi %add3A_307, %mul3A_306 : i32
      %get3A_309 = arith.index_cast %add3A_308 : i32 to index
      %get3A_310 = tpu.vector_load %arg6[%get3A_309] {strides = array<i32>} : memref<25600xf32, #tpu.memory_space<vmem>>, vector<16xf32>,
      %get3A_311 = vector.shape_cast %get3A_310 : vector<16xf32> to vector<16xf32>
      %add3A_312 = arith.addf %add3A_304, %get3A_311 : vector<16xf32>
      %mul3A_313 = arith.constant 16 : i32
      %mul3A_314 = arith.muli %scan3A_272, %mul3A_313 : i32
      %add3A_315 = arith.constant 2560 : i32
      %add3A_316 = arith.addi %add3A_315, %mul3A_314 : i32
      %get3A_317 = arith.index_cast %add3A_316 : i32 to index
      %get3A_318 = tpu.vector_load %arg6[%get3A_317] {strides = array<i32>} : memref<25600xf32, #tpu.memory_space<vmem>>, vector<16xf32>,
      %get3A_319 = vector.shape_cast %get3A_318 : vector<16xf32> to vector<16xf32>
      %add3A_320 = arith.addf %add3A_312, %get3A_319 : vector<16xf32>
      %mul3A_321 = arith.constant 16 : i32
      %mul3A_322 = arith.muli %scan3A_272, %mul3A_321 : i32
      %add3A_323 = arith.constant 3072 : i32
      %add3A_324 = arith.addi %add3A_323, %mul3A_322 : i32
      %get3A_325 = arith.index_cast %add3A_324 : i32 to index
      %get3A_326 = tpu.vector_load %arg6[%get3A_325] {strides = array<i32>} : memref<25600xf32, #tpu.memory_space<vmem>>, vector<16xf32>,
      %get3A_327 = vector.shape_cast %get3A_326 : vector<16xf32> to vector<16xf32>
      %add3A_328 = arith.addf %add3A_320, %get3A_327 : vector<16xf32>
      %mul3A_329 = arith.constant 16 : i32
      %mul3A_330 = arith.muli %scan3A_272, %mul3A_329 : i32
      %add3A_331 = arith.constant 3584 : i32
      %add3A_332 = arith.addi %add3A_331, %mul3A_330 : i32
      %get3A_333 = arith.index_cast %add3A_332 : i32 to index
      %get3A_334 = tpu.vector_load %arg6[%get3A_333] {strides = array<i32>} : memref<25600xf32, #tpu.memory_space<vmem>>, vector<16xf32>,
      %get3A_335 = vector.shape_cast %get3A_334 : vector<16xf32> to vector<16xf32>
      %add3A_336 = arith.addf %add3A_328, %get3A_335 : vector<16xf32>
      %mul3A_337 = arith.constant 16 : i32
      %mul3A_338 = arith.muli %scan3A_272, %mul3A_337 : i32
      %add3A_339 = arith.constant 4096 : i32
      %add3A_340 = arith.addi %add3A_339, %mul3A_338 : i32
      %get3A_341 = arith.index_cast %add3A_340 : i32 to index
      %get3A_342 = tpu.vector_load %arg6[%get3A_341] {strides = array<i32>} : memref<25600xf32, #tpu.memory_space<vmem>>, vector<16xf32>,
      %get3A_343 = vector.shape_cast %get3A_342 : vector<16xf32> to vector<16xf32>
      %add3A_344 = arith.addf %add3A_336, %get3A_343 : vector<16xf32>
      %mul3A_345 = arith.constant 16 : i32
      %mul3A_346 = arith.muli %scan3A_272, %mul3A_345 : i32
      %add3A_347 = arith.constant 4608 : i32
      %add3A_348 = arith.addi %add3A_347, %mul3A_346 : i32
      %get3A_349 = arith.index_cast %add3A_348 : i32 to index
      %get3A_350 = tpu.vector_load %arg6[%get3A_349] {strides = array<i32>} : memref<25600xf32, #tpu.memory_space<vmem>>, vector<16xf32>,
      %get3A_351 = vector.shape_cast %get3A_350 : vector<16xf32> to vector<16xf32>
      %add3A_352 = arith.addf %add3A_344, %get3A_351 : vector<16xf32>
      %mul3A_353 = arith.constant 16 : i32
      %mul3A_354 = arith.muli %scan3A_272, %mul3A_353 : i32
      %add3A_355 = arith.constant 5120 : i32
      %add3A_356 = arith.addi %add3A_355, %mul3A_354 : i32
      %get3A_357 = arith.index_cast %add3A_356 : i32 to index
      %get3A_358 = tpu.vector_load %arg6[%get3A_357] {strides = array<i32>} : memref<25600xf32, #tpu.memory_space<vmem>>, vector<16xf32>,
      %get3A_359 = vector.shape_cast %get3A_358 : vector<16xf32> to vector<16xf32>
      %add3A_360 = arith.addf %add3A_352, %get3A_359 : vector<16xf32>
      %mul3A_361 = arith.constant 16 : i32
      %mul3A_362 = arith.muli %scan3A_272, %mul3A_361 : i32
      %add3A_363 = arith.constant 5632 : i32
      %add3A_364 = arith.addi %add3A_363, %mul3A_362 : i32
      %get3A_365 = arith.index_cast %add3A_364 : i32 to index
      %get3A_366 = tpu.vector_load %arg6[%get3A_365] {strides = array<i32>} : memref<25600xf32, #tpu.memory_space<vmem>>, vector<16xf32>,
      %get3A_367 = vector.shape_cast %get3A_366 : vector<16xf32> to vector<16xf32>
      %add3A_368 = arith.addf %add3A_360, %get3A_367 : vector<16xf32>
      %mul3A_369 = arith.constant 16 : i32
      %mul3A_370 = arith.muli %scan3A_272, %mul3A_369 : i32
      %add3A_371 = arith.constant 6144 : i32
      %add3A_372 = arith.addi %add3A_371, %mul3A_370 : i32
      %get3A_373 = arith.index_cast %add3A_372 : i32 to index
      %get3A_374 = tpu.vector_load %arg6[%get3A_373] {strides = array<i32>} : memref<25600xf32, #tpu.memory_space<vmem>>, vector<16xf32>,
      %get3A_375 = vector.shape_cast %get3A_374 : vector<16xf32> to vector<16xf32>
      %add3A_376 = arith.addf %add3A_368, %get3A_375 : vector<16xf32>
      %mul3A_377 = arith.constant 16 : i32
      %mul3A_378 = arith.muli %scan3A_272, %mul3A_377 : i32
      %add3A_379 = arith.constant 6656 : i32
      %add3A_380 = arith.addi %add3A_379, %mul3A_378 : i32
      %get3A_381 = arith.index_cast %add3A_380 : i32 to index
      %get3A_382 = tpu.vector_load %arg6[%get3A_381] {strides = array<i32>} : memref<25600xf32, #tpu.memory_space<vmem>>, vector<16xf32>,
      %get3A_383 = vector.shape_cast %get3A_382 : vector<16xf32> to vector<16xf32>
      %add3A_384 = arith.addf %add3A_376, %get3A_383 : vector<16xf32>
      %mul3A_385 = arith.constant 16 : i32
      %mul3A_386 = arith.muli %scan3A_272, %mul3A_385 : i32
      %add3A_387 = arith.constant 7168 : i32
      %add3A_388 = arith.addi %add3A_387, %mul3A_386 : i32
      %get3A_389 = arith.index_cast %add3A_388 : i32 to index
      %get3A_390 = tpu.vector_load %arg6[%get3A_389] {strides = array<i32>} : memref<25600xf32, #tpu.memory_space<vmem>>, vector<16xf32>,
      %get3A_391 = vector.shape_cast %get3A_390 : vector<16xf32> to vector<16xf32>
      %add3A_392 = arith.addf %add3A_384, %get3A_391 : vector<16xf32>
      %mul3A_393 = arith.constant 16 : i32
      %mul3A_394 = arith.muli %scan3A_272, %mul3A_393 : i32
      %add3A_395 = arith.constant 7680 : i32
      %add3A_396 = arith.addi %add3A_395, %mul3A_394 : i32
      %get3A_397 = arith.index_cast %add3A_396 : i32 to index
      %get3A_398 = tpu.vector_load %arg6[%get3A_397] {strides = array<i32>} : memref<25600xf32, #tpu.memory_space<vmem>>, vector<16xf32>,
      %get3A_399 = vector.shape_cast %get3A_398 : vector<16xf32> to vector<16xf32>
      %add3A_400 = arith.addf %add3A_392, %get3A_399 : vector<16xf32>
      %mul3A_401 = arith.constant 16 : i32
      %mul3A_402 = arith.muli %scan3A_272, %mul3A_401 : i32
      %add3A_403 = arith.constant 8192 : i32
      %add3A_404 = arith.addi %add3A_403, %mul3A_402 : i32
      %get3A_405 = arith.index_cast %add3A_404 : i32 to index
      %get3A_406 = tpu.vector_load %arg6[%get3A_405] {strides = array<i32>} : memref<25600xf32, #tpu.memory_space<vmem>>, vector<16xf32>,
      %get3A_407 = vector.shape_cast %get3A_406 : vector<16xf32> to vector<16xf32>
      %add3A_408 = arith.addf %add3A_400, %get3A_407 : vector<16xf32>
      %mul3A_409 = arith.constant 16 : i32
      %mul3A_410 = arith.muli %scan3A_272, %mul3A_409 : i32
      %add3A_411 = arith.constant 8704 : i32
      %add3A_412 = arith.addi %add3A_411, %mul3A_410 : i32
      %get3A_413 = arith.index_cast %add3A_412 : i32 to index
      %get3A_414 = tpu.vector_load %arg6[%get3A_413] {strides = array<i32>} : memref<25600xf32, #tpu.memory_space<vmem>>, vector<16xf32>,
      %get3A_415 = vector.shape_cast %get3A_414 : vector<16xf32> to vector<16xf32>
      %add3A_416 = arith.addf %add3A_408, %get3A_415 : vector<16xf32>
      %mul3A_417 = arith.constant 16 : i32
      %mul3A_418 = arith.muli %scan3A_272, %mul3A_417 : i32
      %add3A_419 = arith.constant 9216 : i32
      %add3A_420 = arith.addi %add3A_419, %mul3A_418 : i32
      %get3A_421 = arith.index_cast %add3A_420 : i32 to index
      %get3A_422 = tpu.vector_load %arg6[%get3A_421] {strides = array<i32>} : memref<25600xf32, #tpu.memory_space<vmem>>, vector<16xf32>,
      %get3A_423 = vector.shape_cast %get3A_422 : vector<16xf32> to vector<16xf32>
      %add3A_424 = arith.addf %add3A_416, %get3A_423 : vector<16xf32>
      %mul3A_425 = arith.constant 16 : i32
      %mul3A_426 = arith.muli %scan3A_272, %mul3A_425 : i32
      %add3A_427 = arith.constant 9728 : i32
      %add3A_428 = arith.addi %add3A_427, %mul3A_426 : i32
      %get3A_429 = arith.index_cast %add3A_428 : i32 to index
      %get3A_430 = tpu.vector_load %arg6[%get3A_429] {strides = array<i32>} : memref<25600xf32, #tpu.memory_space<vmem>>, vector<16xf32>,
      %get3A_431 = vector.shape_cast %get3A_430 : vector<16xf32> to vector<16xf32>
      %add3A_432 = arith.addf %add3A_424, %get3A_431 : vector<16xf32>
      %mul3A_433 = arith.constant 16 : i32
      %mul3A_434 = arith.muli %scan3A_272, %mul3A_433 : i32
      %add3A_435 = arith.constant 10240 : i32
      %add3A_436 = arith.addi %add3A_435, %mul3A_434 : i32
      %get3A_437 = arith.index_cast %add3A_436 : i32 to index
      %get3A_438 = tpu.vector_load %arg6[%get3A_437] {strides = array<i32>} : memref<25600xf32, #tpu.memory_space<vmem>>, vector<16xf32>,
      %get3A_439 = vector.shape_cast %get3A_438 : vector<16xf32> to vector<16xf32>
      %add3A_440 = arith.addf %add3A_432, %get3A_439 : vector<16xf32>
      %mul3A_441 = arith.constant 16 : i32
      %mul3A_442 = arith.muli %scan3A_272, %mul3A_441 : i32
      %add3A_443 = arith.constant 10752 : i32
      %add3A_444 = arith.addi %add3A_443, %mul3A_442 : i32
      %get3A_445 = arith.index_cast %add3A_444 : i32 to index
      %get3A_446 = tpu.vector_load %arg6[%get3A_445] {strides = array<i32>} : memref<25600xf32, #tpu.memory_space<vmem>>, vector<16xf32>,
      %get3A_447 = vector.shape_cast %get3A_446 : vector<16xf32> to vector<16xf32>
      %add3A_448 = arith.addf %add3A_440, %get3A_447 : vector<16xf32>
      %mul3A_449 = arith.constant 16 : i32
      %mul3A_450 = arith.muli %scan3A_272, %mul3A_449 : i32
      %add3A_451 = arith.constant 11264 : i32
      %add3A_452 = arith.addi %add3A_451, %mul3A_450 : i32
      %get3A_453 = arith.index_cast %add3A_452 : i32 to index
      %get3A_454 = tpu.vector_load %arg6[%get3A_453] {strides = array<i32>} : memref<25600xf32, #tpu.memory_space<vmem>>, vector<16xf32>,
      %get3A_455 = vector.shape_cast %get3A_454 : vector<16xf32> to vector<16xf32>
      %add3A_456 = arith.addf %add3A_448, %get3A_455 : vector<16xf32>
      %mul3A_457 = arith.constant 16 : i32
      %mul3A_458 = arith.muli %scan3A_272, %mul3A_457 : i32
      %add3A_459 = arith.constant 11776 : i32
      %add3A_460 = arith.addi %add3A_459, %mul3A_458 : i32
      %get3A_461 = arith.index_cast %add3A_460 : i32 to index
      %get3A_462 = tpu.vector_load %arg6[%get3A_461] {strides = array<i32>} : memref<25600xf32, #tpu.memory_space<vmem>>, vector<16xf32>,
      %get3A_463 = vector.shape_cast %get3A_462 : vector<16xf32> to vector<16xf32>
      %add3A_464 = arith.addf %add3A_456, %get3A_463 : vector<16xf32>
      %mul3A_465 = arith.constant 16 : i32
      %mul3A_466 = arith.muli %scan3A_272, %mul3A_465 : i32
      %add3A_467 = arith.constant 12288 : i32
      %add3A_468 = arith.addi %add3A_467, %mul3A_466 : i32
      %get3A_469 = arith.index_cast %add3A_468 : i32 to index
      %get3A_470 = tpu.vector_load %arg6[%get3A_469] {strides = array<i32>} : memref<25600xf32, #tpu.memory_space<vmem>>, vector<16xf32>,
      %get3A_471 = vector.shape_cast %get3A_470 : vector<16xf32> to vector<16xf32>
      %add3A_472 = arith.addf %add3A_464, %get3A_471 : vector<16xf32>
      %mul3A_473 = arith.constant 16 : i32
      %mul3A_474 = arith.muli %scan3A_272, %mul3A_473 : i32
      %add3A_475 = arith.constant 12800 : i32
      %add3A_476 = arith.addi %add3A_475, %mul3A_474 : i32
      %get3A_477 = arith.index_cast %add3A_476 : i32 to index
      %get3A_478 = tpu.vector_load %arg6[%get3A_477] {strides = array<i32>} : memref<25600xf32, #tpu.memory_space<vmem>>, vector<16xf32>,
      %get3A_479 = vector.shape_cast %get3A_478 : vector<16xf32> to vector<16xf32>
      %add3A_480 = arith.addf %add3A_472, %get3A_479 : vector<16xf32>
      %mul3A_481 = arith.constant 16 : i32
      %mul3A_482 = arith.muli %scan3A_272, %mul3A_481 : i32
      %add3A_483 = arith.constant 13312 : i32
      %add3A_484 = arith.addi %add3A_483, %mul3A_482 : i32
      %get3A_485 = arith.index_cast %add3A_484 : i32 to index
      %get3A_486 = tpu.vector_load %arg6[%get3A_485] {strides = array<i32>} : memref<25600xf32, #tpu.memory_space<vmem>>, vector<16xf32>,
      %get3A_487 = vector.shape_cast %get3A_486 : vector<16xf32> to vector<16xf32>
      %add3A_488 = arith.addf %add3A_480, %get3A_487 : vector<16xf32>
      %mul3A_489 = arith.constant 16 : i32
      %mul3A_490 = arith.muli %scan3A_272, %mul3A_489 : i32
      %add3A_491 = arith.constant 13824 : i32
      %add3A_492 = arith.addi %add3A_491, %mul3A_490 : i32
      %get3A_493 = arith.index_cast %add3A_492 : i32 to index
      %get3A_494 = tpu.vector_load %arg6[%get3A_493] {strides = array<i32>} : memref<25600xf32, #tpu.memory_space<vmem>>, vector<16xf32>,
      %get3A_495 = vector.shape_cast %get3A_494 : vector<16xf32> to vector<16xf32>
      %add3A_496 = arith.addf %add3A_488, %get3A_495 : vector<16xf32>
      %mul3A_497 = arith.constant 16 : i32
      %mul3A_498 = arith.muli %scan3A_272, %mul3A_497 : i32
      %add3A_499 = arith.constant 14336 : i32
      %add3A_500 = arith.addi %add3A_499, %mul3A_498 : i32
      %get3A_501 = arith.index_cast %add3A_500 : i32 to index
      %get3A_502 = tpu.vector_load %arg6[%get3A_501] {strides = array<i32>} : memref<25600xf32, #tpu.memory_space<vmem>>, vector<16xf32>,
      %get3A_503 = vector.shape_cast %get3A_502 : vector<16xf32> to vector<16xf32>
      %add3A_504 = arith.addf %add3A_496, %get3A_503 : vector<16xf32>
      %mul3A_505 = arith.constant 16 : i32
      %mul3A_506 = arith.muli %scan3A_272, %mul3A_505 : i32
      %add3A_507 = arith.constant 14848 : i32
      %add3A_508 = arith.addi %add3A_507, %mul3A_506 : i32
      %get3A_509 = arith.index_cast %add3A_508 : i32 to index
      %get3A_510 = tpu.vector_load %arg6[%get3A_509] {strides = array<i32>} : memref<25600xf32, #tpu.memory_space<vmem>>, vector<16xf32>,
      %get3A_511 = vector.shape_cast %get3A_510 : vector<16xf32> to vector<16xf32>
      %add3A_512 = arith.addf %add3A_504, %get3A_511 : vector<16xf32>
      %mul3A_513 = arith.constant 16 : i32
      %mul3A_514 = arith.muli %scan3A_272, %mul3A_513 : i32
      %add3A_515 = arith.constant 15360 : i32
      %add3A_516 = arith.addi %add3A_515, %mul3A_514 : i32
      %get3A_517 = arith.index_cast %add3A_516 : i32 to index
      %get3A_518 = tpu.vector_load %arg6[%get3A_517] {strides = array<i32>} : memref<25600xf32, #tpu.memory_space<vmem>>, vector<16xf32>,
      %get3A_519 = vector.shape_cast %get3A_518 : vector<16xf32> to vector<16xf32>
      %add3A_520 = arith.addf %add3A_512, %get3A_519 : vector<16xf32>
      %mul3A_521 = arith.constant 16 : i32
      %mul3A_522 = arith.muli %scan3A_272, %mul3A_521 : i32
      %add3A_523 = arith.constant 15872 : i32
      %add3A_524 = arith.addi %add3A_523, %mul3A_522 : i32
      %get3A_525 = arith.index_cast %add3A_524 : i32 to index
      %get3A_526 = tpu.vector_load %arg6[%get3A_525] {strides = array<i32>} : memref<25600xf32, #tpu.memory_space<vmem>>, vector<16xf32>,
      %get3A_527 = vector.shape_cast %get3A_526 : vector<16xf32> to vector<16xf32>
      %add3A_528 = arith.addf %add3A_520, %get3A_527 : vector<16xf32>
      %mul3A_529 = arith.constant 16 : i32
      %mul3A_530 = arith.muli %scan3A_272, %mul3A_529 : i32
      %add3A_531 = arith.constant 16384 : i32
      %add3A_532 = arith.addi %add3A_531, %mul3A_530 : i32
      %get3A_533 = arith.index_cast %add3A_532 : i32 to index
      %get3A_534 = tpu.vector_load %arg6[%get3A_533] {strides = array<i32>} : memref<25600xf32, #tpu.memory_space<vmem>>, vector<16xf32>,
      %get3A_535 = vector.shape_cast %get3A_534 : vector<16xf32> to vector<16xf32>
      %add3A_536 = arith.addf %add3A_528, %get3A_535 : vector<16xf32>
      %mul3A_537 = arith.constant 16 : i32
      %mul3A_538 = arith.muli %scan3A_272, %mul3A_537 : i32
      %add3A_539 = arith.constant 16896 : i32
      %add3A_540 = arith.addi %add3A_539, %mul3A_538 : i32
      %get3A_541 = arith.index_cast %add3A_540 : i32 to index
      %get3A_542 = tpu.vector_load %arg6[%get3A_541] {strides = array<i32>} : memref<25600xf32, #tpu.memory_space<vmem>>, vector<16xf32>,
      %get3A_543 = vector.shape_cast %get3A_542 : vector<16xf32> to vector<16xf32>
      %add3A_544 = arith.addf %add3A_536, %get3A_543 : vector<16xf32>
      %mul3A_545 = arith.constant 16 : i32
      %mul3A_546 = arith.muli %scan3A_272, %mul3A_545 : i32
      %add3A_547 = arith.constant 17408 : i32
      %add3A_548 = arith.addi %add3A_547, %mul3A_546 : i32
      %get3A_549 = arith.index_cast %add3A_548 : i32 to index
      %get3A_550 = tpu.vector_load %arg6[%get3A_549] {strides = array<i32>} : memref<25600xf32, #tpu.memory_space<vmem>>, vector<16xf32>,
      %get3A_551 = vector.shape_cast %get3A_550 : vector<16xf32> to vector<16xf32>
      %add3A_552 = arith.addf %add3A_544, %get3A_551 : vector<16xf32>
      %mul3A_553 = arith.constant 16 : i32
      %mul3A_554 = arith.muli %scan3A_272, %mul3A_553 : i32
      %add3A_555 = arith.constant 17920 : i32
      %add3A_556 = arith.addi %add3A_555, %mul3A_554 : i32
      %get3A_557 = arith.index_cast %add3A_556 : i32 to index
      %get3A_558 = tpu.vector_load %arg6[%get3A_557] {strides = array<i32>} : memref<25600xf32, #tpu.memory_space<vmem>>, vector<16xf32>,
      %get3A_559 = vector.shape_cast %get3A_558 : vector<16xf32> to vector<16xf32>
      %add3A_560 = arith.addf %add3A_552, %get3A_559 : vector<16xf32>
      %mul3A_561 = arith.constant 16 : i32
      %mul3A_562 = arith.muli %scan3A_272, %mul3A_561 : i32
      %add3A_563 = arith.constant 18432 : i32
      %add3A_564 = arith.addi %add3A_563, %mul3A_562 : i32
      %get3A_565 = arith.index_cast %add3A_564 : i32 to index
      %get3A_566 = tpu.vector_load %arg6[%get3A_565] {strides = array<i32>} : memref<25600xf32, #tpu.memory_space<vmem>>, vector<16xf32>,
      %get3A_567 = vector.shape_cast %get3A_566 : vector<16xf32> to vector<16xf32>
      %add3A_568 = arith.addf %add3A_560, %get3A_567 : vector<16xf32>
      %mul3A_569 = arith.constant 16 : i32
      %mul3A_570 = arith.muli %scan3A_272, %mul3A_569 : i32
      %add3A_571 = arith.constant 18944 : i32
      %add3A_572 = arith.addi %add3A_571, %mul3A_570 : i32
      %get3A_573 = arith.index_cast %add3A_572 : i32 to index
      %get3A_574 = tpu.vector_load %arg6[%get3A_573] {strides = array<i32>} : memref<25600xf32, #tpu.memory_space<vmem>>, vector<16xf32>,
      %get3A_575 = vector.shape_cast %get3A_574 : vector<16xf32> to vector<16xf32>
      %add3A_576 = arith.addf %add3A_568, %get3A_575 : vector<16xf32>
      %mul3A_577 = arith.constant 16 : i32
      %mul3A_578 = arith.muli %scan3A_272, %mul3A_577 : i32
      %add3A_579 = arith.constant 19456 : i32
      %add3A_580 = arith.addi %add3A_579, %mul3A_578 : i32
      %get3A_581 = arith.index_cast %add3A_580 : i32 to index
      %get3A_582 = tpu.vector_load %arg6[%get3A_581] {strides = array<i32>} : memref<25600xf32, #tpu.memory_space<vmem>>, vector<16xf32>,
      %get3A_583 = vector.shape_cast %get3A_582 : vector<16xf32> to vector<16xf32>
      %add3A_584 = arith.addf %add3A_576, %get3A_583 : vector<16xf32>
      %mul3A_585 = arith.constant 16 : i32
      %mul3A_586 = arith.muli %scan3A_272, %mul3A_585 : i32
      %add3A_587 = arith.constant 19968 : i32
      %add3A_588 = arith.addi %add3A_587, %mul3A_586 : i32
      %get3A_589 = arith.index_cast %add3A_588 : i32 to index
      %get3A_590 = tpu.vector_load %arg6[%get3A_589] {strides = array<i32>} : memref<25600xf32, #tpu.memory_space<vmem>>, vector<16xf32>,
      %get3A_591 = vector.shape_cast %get3A_590 : vector<16xf32> to vector<16xf32>
      %add3A_592 = arith.addf %add3A_584, %get3A_591 : vector<16xf32>
      %mul3A_593 = arith.constant 16 : i32
      %mul3A_594 = arith.muli %scan3A_272, %mul3A_593 : i32
      %add3A_595 = arith.constant 20480 : i32
      %add3A_596 = arith.addi %add3A_595, %mul3A_594 : i32
      %get3A_597 = arith.index_cast %add3A_596 : i32 to index
      %get3A_598 = tpu.vector_load %arg6[%get3A_597] {strides = array<i32>} : memref<25600xf32, #tpu.memory_space<vmem>>, vector<16xf32>,
      %get3A_599 = vector.shape_cast %get3A_598 : vector<16xf32> to vector<16xf32>
      %add3A_600 = arith.addf %add3A_592, %get3A_599 : vector<16xf32>
      %mul3A_601 = arith.constant 16 : i32
      %mul3A_602 = arith.muli %scan3A_272, %mul3A_601 : i32
      %add3A_603 = arith.constant 20992 : i32
      %add3A_604 = arith.addi %add3A_603, %mul3A_602 : i32
      %get3A_605 = arith.index_cast %add3A_604 : i32 to index
      %get3A_606 = tpu.vector_load %arg6[%get3A_605] {strides = array<i32>} : memref<25600xf32, #tpu.memory_space<vmem>>, vector<16xf32>,
      %get3A_607 = vector.shape_cast %get3A_606 : vector<16xf32> to vector<16xf32>
      %add3A_608 = arith.addf %add3A_600, %get3A_607 : vector<16xf32>
      %mul3A_609 = arith.constant 16 : i32
      %mul3A_610 = arith.muli %scan3A_272, %mul3A_609 : i32
      %add3A_611 = arith.constant 21504 : i32
      %add3A_612 = arith.addi %add3A_611, %mul3A_610 : i32
      %get3A_613 = arith.index_cast %add3A_612 : i32 to index
      %get3A_614 = tpu.vector_load %arg6[%get3A_613] {strides = array<i32>} : memref<25600xf32, #tpu.memory_space<vmem>>, vector<16xf32>,
      %get3A_615 = vector.shape_cast %get3A_614 : vector<16xf32> to vector<16xf32>
      %add3A_616 = arith.addf %add3A_608, %get3A_615 : vector<16xf32>
      %mul3A_617 = arith.constant 16 : i32
      %mul3A_618 = arith.muli %scan3A_272, %mul3A_617 : i32
      %add3A_619 = arith.constant 22016 : i32
      %add3A_620 = arith.addi %add3A_619, %mul3A_618 : i32
      %get3A_621 = arith.index_cast %add3A_620 : i32 to index
      %get3A_622 = tpu.vector_load %arg6[%get3A_621] {strides = array<i32>} : memref<25600xf32, #tpu.memory_space<vmem>>, vector<16xf32>,
      %get3A_623 = vector.shape_cast %get3A_622 : vector<16xf32> to vector<16xf32>
      %add3A_624 = arith.addf %add3A_616, %get3A_623 : vector<16xf32>
      %mul3A_625 = arith.constant 16 : i32
      %mul3A_626 = arith.muli %scan3A_272, %mul3A_625 : i32
      %add3A_627 = arith.constant 22528 : i32
      %add3A_628 = arith.addi %add3A_627, %mul3A_626 : i32
      %get3A_629 = arith.index_cast %add3A_628 : i32 to index
      %get3A_630 = tpu.vector_load %arg6[%get3A_629] {strides = array<i32>} : memref<25600xf32, #tpu.memory_space<vmem>>, vector<16xf32>,
      %get3A_631 = vector.shape_cast %get3A_630 : vector<16xf32> to vector<16xf32>
      %add3A_632 = arith.addf %add3A_624, %get3A_631 : vector<16xf32>
      %mul3A_633 = arith.constant 16 : i32
      %mul3A_634 = arith.muli %scan3A_272, %mul3A_633 : i32
      %add3A_635 = arith.constant 23040 : i32
      %add3A_636 = arith.addi %add3A_635, %mul3A_634 : i32
      %get3A_637 = arith.index_cast %add3A_636 : i32 to index
      %get3A_638 = tpu.vector_load %arg6[%get3A_637] {strides = array<i32>} : memref<25600xf32, #tpu.memory_space<vmem>>, vector<16xf32>,
      %get3A_639 = vector.shape_cast %get3A_638 : vector<16xf32> to vector<16xf32>
      %add3A_640 = arith.addf %add3A_632, %get3A_639 : vector<16xf32>
      %mul3A_641 = arith.constant 16 : i32
      %mul3A_642 = arith.muli %scan3A_272, %mul3A_641 : i32
      %add3A_643 = arith.constant 23552 : i32
      %add3A_644 = arith.addi %add3A_643, %mul3A_642 : i32
      %get3A_645 = arith.index_cast %add3A_644 : i32 to index
      %get3A_646 = tpu.vector_load %arg6[%get3A_645] {strides = array<i32>} : memref<25600xf32, #tpu.memory_space<vmem>>, vector<16xf32>,
      %get3A_647 = vector.shape_cast %get3A_646 : vector<16xf32> to vector<16xf32>
      %add3A_648 = arith.addf %add3A_640, %get3A_647 : vector<16xf32>
      %mul3A_649 = arith.constant 16 : i32
      %mul3A_650 = arith.muli %scan3A_272, %mul3A_649 : i32
      %add3A_651 = arith.constant 24064 : i32
      %add3A_652 = arith.addi %add3A_651, %mul3A_650 : i32
      %get3A_653 = arith.index_cast %add3A_652 : i32 to index
      %get3A_654 = tpu.vector_load %arg6[%get3A_653] {strides = array<i32>} : memref<25600xf32, #tpu.memory_space<vmem>>, vector<16xf32>,
      %get3A_655 = vector.shape_cast %get3A_654 : vector<16xf32> to vector<16xf32>
      %add3A_656 = arith.addf %add3A_648, %get3A_655 : vector<16xf32>
      %mul3A_657 = arith.constant 16 : i32
      %mul3A_658 = arith.muli %scan3A_272, %mul3A_657 : i32
      %add3A_659 = arith.constant 24576 : i32
      %add3A_660 = arith.addi %add3A_659, %mul3A_658 : i32
      %get3A_661 = arith.index_cast %add3A_660 : i32 to index
      %get3A_662 = tpu.vector_load %arg6[%get3A_661] {strides = array<i32>} : memref<25600xf32, #tpu.memory_space<vmem>>, vector<16xf32>,
      %get3A_663 = vector.shape_cast %get3A_662 : vector<16xf32> to vector<16xf32>
      %add3A_664 = arith.addf %add3A_656, %get3A_663 : vector<16xf32>
      %mul3A_665 = arith.constant 16 : i32
      %mul3A_666 = arith.muli %scan3A_272, %mul3A_665 : i32
      %add3A_667 = arith.constant 25088 : i32
      %add3A_668 = arith.addi %add3A_667, %mul3A_666 : i32
      %get3A_669 = arith.index_cast %add3A_668 : i32 to index
      %get3A_670 = tpu.vector_load %arg6[%get3A_669] {strides = array<i32>} : memref<25600xf32, #tpu.memory_space<vmem>>, vector<16xf32>,
      %get3A_671 = vector.shape_cast %get3A_670 : vector<16xf32> to vector<16xf32>
      %add3A_672 = arith.addf %add3A_664, %get3A_671 : vector<16xf32>
      %neg3A = arith.constant 0.000000e+00 : f32
      %neg3A_673 = vector.broadcast %neg3A : f32 to vector<16xf32>
      %neg3A_674 = arith.subf %neg3A_673, %add3A_672 : vector<16xf32>
      %exp3A = math.exp %neg3A_674 : vector<16xf32>
      %add3A_675 = arith.constant 1.000000e+00 : f32
      %add3A_676 = vector.broadcast %add3A_675 : f32 to vector<16xf32>
      %add3A_677 = arith.addf %add3A_676, %exp3A : vector<16xf32>
      %div3A = arith.constant 1.000000e+00 : f32
      %div3A_678 = vector.broadcast %div3A : f32 to vector<16xf32>
      %div3A_679 = arith.divf %div3A_678, %add3A_677 : vector<16xf32>
      %mul3A_680 = arith.constant 16 : i32
      %mul3A_681 = arith.muli %scan3A_272, %mul3A_680 : i32
      %swap3A = arith.index_cast %mul3A_681 : i32 to index
      %swap3A_682 = tpu.vector_load %arg7[%swap3A] {strides = array<i32>} : memref<512xf32, #tpu.memory_space<vmem>>, vector<16xf32>,
      %swap3A_683 = vector.shape_cast %swap3A_682 : vector<16xf32> to vector<16xf32>
      %swap3A_684 = vector.shape_cast %div3A_679 : vector<16xf32> to vector<16xf32>
      tpu.vector_store %arg7[%swap3A], %swap3A_684 {strides = array<i32>} : memref<512xf32, #tpu.memory_space<vmem>>, vector<16xf32>,
    }
    %scan3A_269 = arith.constant 32 : i32
    %mul3A_270 = arith.constant 512 : i32
    %mul3A_271 = arith.muli %add3A, %mul3A_270 : i32
    "tpu.region"() ({
      %run_scoped3A = tpu.sem_alloc : memref<!tpu.dma_semaphore, #tpu.memory_space<semaphore_mem>>
      %dma_start3A_272 = tpu.memref_slice %arg4[%mul3A_271] : memref<16384xf32, #tpu.memory_space<hbm>> -> memref<512xf32, #tpu.memory_space<hbm>>
      %dma_start3A_273 = tpu.memref_slice %arg4[%mul3A_271] : memref<16384xf32, #tpu.memory_space<hbm>> -> memref<512xf32, #tpu.memory_space<hbm>>
      tpu.enqueue_dma source(%arg7 : memref<512xf32, #tpu.memory_space<vmem>>) target(%dma_start3A_273 : memref<512xf32, #tpu.memory_space<hbm>>) target_semaphore(%run_scoped3A : memref<!tpu.dma_semaphore, #tpu.memory_space<semaphore_mem>>)
      %dma_wait3A_274 = tpu.memref_slice %arg4[%mul3A_271] : memref<16384xf32, #tpu.memory_space<hbm>> -> memref<512xf32, #tpu.memory_space<hbm>>
      %dma_wait3A_275 = tpu.memref_slice %arg4[%mul3A_271] : memref<16384xf32, #tpu.memory_space<hbm>> -> memref<512xf32, #tpu.memory_space<hbm>>
      tpu.wait_dma2 semaphore(%run_scoped3A : memref<!tpu.dma_semaphore, #tpu.memory_space<semaphore_mem>>) src(%arg7 : memref<512xf32, #tpu.memory_space<vmem>>) dst(%dma_wait3A_275 : memref<512xf32, #tpu.memory_space<hbm>>)
      tpu.yield
    }) : () -> ()
    return
  }
}

module attributes {stable_mosaic.version = 14 : i64} {
  func.func @_scores_body(%arg0: i32, %arg1: memref<16x100000xf32, #tpu.memory_space<vmem>>, %arg2: memref<16x1xf32, #tpu.memory_space<vmem>>, %arg3: memref<1xf32, #tpu.memory_space<smem>>, %arg4: memref<1x100000xf32, #tpu.memory_space<vmem>>) attributes {dimension_semantics = [#tpu.dimension_semantics<arbitrary>], iteration_bounds = array<i64: 4>, scalar_prefetch = 0 : i64, scratch_operands = 0 : i64, tpu.core_type = #tpu.core_type<tc>, window_params = [{transform_indices = @transform_0, window_bounds = array<i64: 16, 100000>}, {transform_indices = @transform_1, window_bounds = array<i64: 16, 1>}, {transform_indices = @transform_2, window_bounds = array<i64: 1>}, {pipeline_mode = #tpu.pipeline_mode<synchronous>, transform_indices = @transform_3, window_bounds = array<i64: 1, 100000>}]} {
    %get3A = arith.constant 0 : index
    %get3A_0 = arith.constant 0 : index
    %get3A_1 = vector.load %arg2[%get3A, %get3A_0] : memref<16x1xf32, #tpu.memory_space<vmem>>, vector<16x1xf32>
    %get3A_2 = arith.constant 0 : index
    %get3A_3 = arith.constant 0 : index
    %get3A_4 = vector.load %arg1[%get3A_2, %get3A_3] : memref<16x100000xf32, #tpu.memory_space<vmem>>, vector<16x100000xf32>
    %dot_general3A = arith.constant dense<0.000000e+00> : vector<1x100000xf32>
    %dot_general3A_5 = tpu.matmul %get3A_1, %get3A_4, %dot_general3A {dimension_numbers = #tpu.dot_dimension_numbers<[0], [0], [1], [1], [0, 1, 1, 1], [], []>, transpose_lhs_hint = false} : vector<16x1xf32>, vector<16x100000xf32>, vector<1x100000xf32> -> vector<1x100000xf32>
    %mul3A = arith.constant 2.000000e-02 : f32
    %mul3A_6 = vector.broadcast %mul3A : f32 to vector<1x100000xf32>
    %mul3A_7 = arith.mulf %dot_general3A_5, %mul3A_6 : vector<1x100000xf32>
    %eq3A = arith.constant 0 : i32
    %eq3A_8 = arith.cmpi eq, %arg0, %eq3A : i32
    %convert_element_type3A = arith.extui %eq3A_8 : i1 to i32
    %cond3A = arith.constant 0 : i32
    %cond3A_9 = arith.cmpi ne, %convert_element_type3A, %cond3A : i32
    scf.if %cond3A_9 {
      %get3A_14 = arith.constant 0 : index
      %get3A_15 = memref.load %arg3[%get3A_14] : memref<1xf32, #tpu.memory_space<smem>>
      %mul3A_16 = arith.constant 2.000000e-02 : f32
      %mul3A_17 = arith.mulf %get3A_15, %mul3A_16 : f32
      %add3A = vector.broadcast %mul3A_17 : f32 to vector<1x100000xf32>
      %add3A_18 = arith.addf %mul3A_7, %add3A : vector<1x100000xf32>
      %swap3A = arith.constant 0 : index
      %swap3A_19 = arith.constant 0 : index
      %swap3A_20 = vector.load %arg4[%swap3A, %swap3A_19] : memref<1x100000xf32, #tpu.memory_space<vmem>>, vector<1x100000xf32>
      tpu.vector_store %arg4[%swap3A, %swap3A_19], %add3A_18 {strides = array<i32>} : memref<1x100000xf32, #tpu.memory_space<vmem>>, vector<1x100000xf32>,
    } else {
    }
    %ne3A = arith.constant 0 : i32
    %ne3A_10 = arith.cmpi ne, %arg0, %ne3A : i32
    %convert_element_type3A_11 = arith.extui %ne3A_10 : i1 to i32
    %cond3A_12 = arith.constant 0 : i32
    %cond3A_13 = arith.cmpi ne, %convert_element_type3A_11, %cond3A_12 : i32
    scf.if %cond3A_13 {
      %get3A_14 = arith.constant 0 : index
      %get3A_15 = arith.constant 0 : index
      %get3A_16 = vector.load %arg4[%get3A_14, %get3A_15] : memref<1x100000xf32, #tpu.memory_space<vmem>>, vector<1x100000xf32>
      %add3A = arith.addf %get3A_16, %mul3A_7 : vector<1x100000xf32>
      %swap3A = arith.constant 0 : index
      %swap3A_17 = arith.constant 0 : index
      %swap3A_18 = vector.load %arg4[%swap3A, %swap3A_17] : memref<1x100000xf32, #tpu.memory_space<vmem>>, vector<1x100000xf32>
      tpu.vector_store %arg4[%swap3A, %swap3A_17], %add3A {strides = array<i32>} : memref<1x100000xf32, #tpu.memory_space<vmem>>, vector<1x100000xf32>,
    } else {
    }
    return
  }
  func.func @transform_0(%arg0: i32) -> (i32, i32) {
    %c0_i32 = arith.constant 0 : i32
    %c0_i32_0 = arith.constant 0 : i32
    return %arg0, %c0_i32 : i32, i32
  }
  func.func @transform_1(%arg0: i32) -> (i32, i32) {
    %c0_i32 = arith.constant 0 : i32
    %c0_i32_0 = arith.constant 0 : i32
    return %arg0, %c0_i32 : i32, i32
  }
  func.func @transform_2(%arg0: i32) -> i32 {
    %c0_i32 = arith.constant 0 : i32
    %c0_i32_0 = arith.constant 0 : i32
    return %c0_i32 : i32
  }
  func.func @transform_3(%arg0: i32) -> (i32, i32) {
    %c0_i32 = arith.constant 0 : i32
    %c0_i32_0 = arith.constant 0 : i32
    %c0_i32_1 = arith.constant 0 : i32
    return %c0_i32, %c0_i32_0 : i32, i32
  }
}

</mosaic_0001>

<sc_bundles>
// kernel: kernel.4.cloned.1.call-start
scs
__scs_entry_jumppad:
0x0: {  	(pc) =	sbr.rel $0x88, $3  }
0x1: {  	(tag) =	ssettag $0x0;
	lr =	simm.s32 $0x1  }
0x2: {  	[smem:$0x3F9D] =	sst lr;
	_ =	strace $0xD0000000  }
0x3: {  	_ = 	snop  }
0x4: {  	_ = 	snop  }
0x5: {  	_ = 	snop  }
0x6: {  	_ = 	snop  }
0x7: {  	_ = 	snop  }
__scs_overlays_trampoline_lowered:
0x8: {  	[smem:$0x3FAC] =	sst s0  }
0x9: {  	[smem:$0x3FAD] =	sst s1  }
0xa: {  	[smem:$0x3FAE] =	sst s2  }
0xb: {  	[smem:$0x3FAF] =	sst s3  }
0xc: {  	[smem:$0x3FB0] =	sst s4  }
0xd: {  	[smem:$0x3FB1] =	sst s5  }
0xe: {  	[smem:$0x3FB2] =	sst s6  }
0xf: {  	[smem:$0x3FB3] =	sst s7  }
0x10: {  	[smem:$0x3FB4] =	sst s8  }
0x11: {  	[smem:$0x3FB5] =	sst s9;
	s0 =	simm.s32 @!p0 $0x0  }
0x12: {  	s1 =	sld [smem:$0x3F9B];
	s0 =	simm.s32 @p0 $0x1  }
0x13: {  	[smem:$0x3FB6] =	sst s0;
	s0 =	simm.s32 @!p1 $0x0  }
0x14: {  	s2 =	sld [smem:$0x3F9A];
	s0 =	simm.s32 @p1 $0x1  }
0x15: {  	[smem:$0x3FB7] =	sst s0;
	s0 =	simm.s32 @!p2 $0x0  }
0x16: {  	s3 =	sld [smem:$0x3FDB];
	s0 =	simm.s32 @p2 $0x1  }
0x17: {  	s4 =	simm.s32 $0x1BF5;
	[smem:$0x3FB9] =	sst s0  }
0x18: {  	s0 =	sld [smem:$0x3F9C];
	_ =	swait.ge [sflag:s4], $0x0  }
0x19: {  	s7 =	sld [smem:$0x3F9D]  }
0x1a: {  	s8 =	sadd.s32 $0xFFFFE003, lr  }
0x1b: {  	s9 =	sadd.s32 $0xFFFFFEF7, lr;
	s5 =	simm.s32 $0xFFFFFFFF;
	p2 =	slt.u32 s8, $0xFFFFF086  }
0x1c: {  	p1 =	slt.u32 s9, $0xF7A;
	s5 =	simm.s32 @!p2 $0x0  }
0x1d: {  	s5 =	simm.s32 @p1 $0x1;
	p0 =	seq.s32 s7, s2  }
0x1e: {  	s7 =	smul.u32 @!p0 $0xF7A, s2;
	p2 =	seq.s32 @!p0 s5, $0x0  }
0x1f: {  	s9 =	smul.u32 $0xF7A, s1;
	s8 =	simm.s32 @!p0 $0x1BF5;
	p2 =	por !p2, p0  }
0x20: {  	[sflag:s8] =	ssyncset.s32 @!p0 $0xFFFFF086;
	s6 =	sadd.s32 @!p0 s3, s7;
	s7 =	simm.s32 @!p0 $0x108  }
0x21: {  	s3 =	sadd.s32 s3, s9;
	s6 =	sadd.s32 @!p0 $0x88, s6;
	s7 =	simm.s32 @p2 $0x1082  }
0x22: {  	[simem:s7], [sflag:s8] =	dma.local @!p0 [hbm:s6], $0xF7A  }
0x23: {  	s9 =	sor.u32 $0xD0000000, s2;
	s6 =	simm.s32 $0x108;
	_ =	swait.ge @!p0 [sflag:s8], $0x0  }
0x24: {  	s3 =	sadd.s32 $0x88, s3;
	s6 =	simm.s32 @!p1 $0x1082;
	[sflag:s4] =	ssyncset.s32 $0xFFFFF086  }
0x25: {  	[simem:s6], [sflag:s4] =	dma.local [hbm:s3], $0xF7A  }
0x26: {  	[smem:$0x3F9D] =	sst s1;
	(tag) =	ssettag s2;
	_ =	strace s9  }
0x27: {  	s1 =	sld [smem:$0x3FAD]  }
0x28: {  	s2 =	sld [smem:$0x3FAE]  }
0x29: {  	s4 =	sld [smem:$0x3FB0]  }
0x2a: {  	p0 =	seq.s32 s5, $0x0;
	s5 =	sld [smem:$0x3FB1]  }
0x2b: {  	s6 =	sld [smem:$0x3FB2]  }
0x2c: {  	s7 =	sld [smem:$0x3FB3]  }
0x2d: {  	s3 =	simm.s32 $0x108;
	s8 =	sld [smem:$0x3FB4]  }
0x2e: {  	s3 =	simm.s32 @!p0 $0x1082;
	s9 =	sld [smem:$0x3FB5]  }
0x2f: {  	lr =	sadd.s32 s0, s3;
	s0 =	sld [smem:$0x3FAC]  }
0x30: {  	s3 =	sld [smem:$0x3FAF]  }
0x31: {  	[smem:$0x3FB8] =	sst s10  }
0x32: {  	s10 =	sld [smem:$0x3FB6];
	_ =	sdelay $0x3  }
0x33: {  	p0 =	seq.s32 s10, $0x1;
	s10 =	sld [smem:$0x3FB8];
	_ =	sdelay $0x3  }
0x34: {  	[smem:$0x3FB8] =	sst s10  }
0x35: {  	s10 =	sld [smem:$0x3FB7];
	_ =	sdelay $0x3  }
0x36: {  	p1 =	seq.s32 s10, $0x1;
	s10 =	sld [smem:$0x3FB8];
	_ =	sdelay $0x3  }
0x37: {  	[smem:$0x3FB8] =	sst s10  }
0x38: {  	s10 =	sld [smem:$0x3FB9]  }
0x39: {  	_ = 	snop;
	(pc) =	sbr.ind lr, $3  }
0x3a: {  	_ = 	snop  }
0x3b: {  	_ = 	snop  }
0x3c: {  	p2 =	seq.s32 s10, $0x1;
	s10 =	sld [smem:$0x3FB8]  }
0x3d: {  	_ =	shalt  }
0x3e: {  	_ =	shalt  }
0x3f: {  	_ =	shalt  }
0x40: {  	_ =	shalt  }
0x41: {  	_ =	shalt  }
0x42: {  	_ =	shalt  }
0x43: {  	_ =	shalt  }
0x44: {  	_ =	shalt  }
0x45: {  	_ =	shalt  }
0x46: {  	_ =	shalt  }
0x47: {  	_ =	shalt  }
0x48: {  	_ =	shalt  }
0x49: {  	_ =	shalt  }
0x4a: {  	_ =	shalt  }
0x4b: {  	_ =	shalt  }
0x4c: {  	_ =	shalt  }
0x4d: {  	_ =	shalt  }
0x4e: {  	_ =	shalt  }
0x4f: {  	_ =	shalt  }
0x50: {  	_ =	shalt  }
0x51: {  	_ =	shalt  }
0x52: {  	_ =	shalt  }
0x53: {  	_ =	shalt  }
0x54: {  	_ =	shalt  }
0x55: {  	_ =	shalt  }
0x56: {  	_ =	shalt  }
0x57: {  	_ =	shalt  }
0x58: {  	_ =	shalt  }
0x59: {  	_ =	shalt  }
0x5a: {  	_ =	shalt  }
0x5b: {  	_ =	shalt  }
0x5c: {  	_ =	shalt  }
0x5d: {  	_ =	shalt  }
0x5e: {  	_ =	shalt  }
0x5f: {  	_ =	shalt  }
0x60: {  	_ =	shalt  }
0x61: {  	_ =	shalt  }
0x62: {  	_ =	shalt  }
0x63: {  	_ =	shalt  }
0x64: {  	_ =	shalt  }
0x65: {  	_ =	shalt  }
0x66: {  	_ =	shalt  }
0x67: {  	_ =	shalt  }
0x68: {  	_ =	shalt  }
0x69: {  	_ =	shalt  }
0x6a: {  	_ =	shalt  }
0x6b: {  	_ =	shalt  }
0x6c: {  	_ =	shalt  }
0x6d: {  	_ =	shalt  }
0x6e: {  	_ =	shalt  }
0x6f: {  	_ =	shalt  }
0x70: {  	_ =	shalt  }
0x71: {  	_ =	shalt  }
0x72: {  	_ =	shalt  }
0x73: {  	_ =	shalt  }
0x74: {  	_ =	shalt  }
0x75: {  	_ =	shalt  }
0x76: {  	_ =	shalt  }
0x77: {  	_ =	shalt  }
0x78: {  	_ =	shalt  }
0x79: {  	_ =	shalt  }
0x7a: {  	_ =	shalt  }
0x7b: {  	_ =	shalt  }
0x7c: {  	_ =	shalt  }
0x7d: {  	_ =	shalt  }
0x7e: {  	_ =	shalt  }
0x7f: {  	_ =	shalt  }
0x80: {  	_ =	shalt  }
0x81: {  	_ =	shalt  }
0x82: {  	_ =	shalt  }
0x83: {  	_ =	shalt  }
0x84: {  	_ =	shalt  }
0x85: {  	_ =	shalt  }
0x86: {  	_ =	shalt  }
0x87: {  	_ =	shalt  }
.Lfunc_end0:
.L_simem_size_0:
called_computation_lowered:
.L_overlay_start_0:
0x88: {  	s2 =	sld [smem:$0x3FD9]  }
0x89: {  	s3 =	sld [smem:$0x3FFE];
	_ =	sdelay $0x1  }
0x8a: {  	s1 =	srdreg.scid  }
0x8b: {  	s0 =	sand.u32 $0x1, s1  }
0x8c: {  	s17 =	sshll.u32 s0, $0xA;
	s2 =	sadd.s32 s3, s2  }
0x8d: {  	s2 =	sadd.s32 s2, s17  }
0x8e: {  	[smem:$0x3FC4] =	sst s2  }
0x8f: {  	_ = 	snop  }
0x90: {  	s2 =	sld [smem:$0x3FC9]  }
0x91: {  	s18 =	sld [smem:$0x3FD0];
	(tm) =	ssettm $0x1  }
0x92: {  	s4 =	sld [smem:$0x3FFB];
	_ =	sdelay $0x3  }
0x93: {  	_ =	strace s4  }
0x94: {  	s4 =	sld [smem:$0x3FFC];
	_ =	sdelay $0x3  }
0x95: {  	_ =	strace s4  }
0x96: {  	s4 =	sld [smem:$0x3FFD];
	_ =	sdelay $0x3  }
0x97: {  	_ =	strace s4  }
0x98: {  	_ =	strace $0x8FFFFFFF  }
0x99: {  	s19 =	sld [smem:$0x3FDB];
	_ =	sdelay $0x1  }
0x9a: {  	s5 =	simm.s32 $_scs_section_size  }
0x9b: {  	s6 =	simm.s32 $_size__tile_overlayer_lowered;
	s7 =	simm.s32 $_tile_overlayer_lowered  }
0x9c: {  	s22 =	simm.s32 $0x1BFF;
	s21 =	sshll.u32 s7, $0x1;
	s4 =	sadd.s32 s5, s19  }
0x9d: {  	s8 =	simm.s32 $0x0;
	s20 =	sshll.u32 s6, $0x1;
	s6 =	sadd.s32 s21, s4  }
0x9e: {  	[timem:s8], [sflag:s22] =	dma.local [hbm:s6], s20  }
0x9f: {  	_ =	swait.ge [sflag:s22], s20  }
0xa0: {  	s5 =	ssub.s32 $0x0, s20;
	[sflag:s22] =	ssyncset.done $0x0  }
0xa1: {  	[sflag:s22] =	ssyncadd.s32 s5;
	_ =	sdelay $0x1  }
0xa2: {  	s23 =	simm.s32 $0x1B8B  }
0xa3: {  	_ =	swait.ge [sflag:s23], $0x1  }
0xa4: {  	[sflag:s23] =	ssyncset.done $0x0  }
0xa5: {  	s25 =	simm.s32 $0x1B8E;
	s24 =	sld [smem:$0x3FFE];
	[sflag:s23] =	ssyncadd.s32 $0xFFFFFFFF  }
0xa6: {  	s26 =	simm.s32 $execute0_lowered;
	[smem:$0x3FD2] =	sst s25  }
0xa7: {  	s6 =	sshll.u32 s26, $0x1;
	_ =	strace $0x80000046;
	[dreg:$0x1] =	wrdreg $0xFFFFFFFF  }
0xa8: {  	s28 =	simm.s32 $_size_execute0_lowered;
	s4 =	sadd.s32 s4, s6;
	[dreg:$0x0] =	wrdreg $0x0  }
0xa9: {  	s6 =	sshll.u32 s28, $0x1;
	[dreg:$0x2] =	wrdreg s4  }
0xaa: {  	[dreg:$0x3] =	wrdreg s6  }
0xab: {  	[dreg:$0x4] =	wrdreg $0xC0  }
0xac: {  	_ =	task [dreg:s8], $0x5FFFF  }
0xad: {  	[dreg:$0x1] =	wrdreg $0xFFFFFFFF  }
0xae: {  	[dreg:$0x0] =	wrdreg $0x60  }
0xaf: {  	[dreg:$0x2] =	wrdreg s2  }
0xb0: {  	[dreg:$0x3] =	wrdreg s24  }
0xb1: {  	[dreg:$0x4] =	wrdreg s18  }
0xb2: {  	[dreg:$0x5] =	wrdreg $0xD6000  }
0xb3: {  	[dreg:$0x6] =	wrdreg $0x9  }
0xb4: {  	_ =	task.clear_ibuf [dreg:s8], $0x7FFFF;
	_ =	strace $0x90000046  }
0xb5: {  	s29 =	simm.s32 $0x9;
	_ =	strace $0x80000048  }
0xb6: {  	_ =	swait.ge [sflag:s29], $0x1  }
0xb7: {  	[sflag:s29] =	ssyncadd.s32 $0xFFFFFFFF  }
0xb8: {  	_ =	strace $0x90000048  }
0xb9: {  	_ =	sfence  }
0xba: {  	s30 =	sld [smem:$0x0];
	_ =	sdelay $0x2  }
0xbb: {  	s31 =	sshll.u32 s1, $0xD;
	s1 =	sshrl.u32 s1, $0x2  }
0xbc: {  	s3 =	sand.u32 $0x4000, s31;
	s1 =	sadd.s32 s1, s30  }
0xbd: {  	s0 =	sor.u32 s3, s0;
	s1 =	sshll.u32 s1, $0x11  }
0xbe: {  	s0 =	sor.u32 s1, s0  }
0xbf: {  	s0 =	sadd.s32 $0x8F2B, s0  }
0xc0: {  	[sflag:s0] =	ssyncadd.remote.s32 $0x1  }
0xc1: {  	_ =	sfence.sel $0xFFFF  }
0xc2: {  	[dreg:$0x0] =	wrdreg $0xFFFFFFFF;
	(pc) =	sbr.abs _section_cstart, $3  }
0xc3: {  	[dreg:$0x1] =	wrdreg $0xFFFFFFFF  }
0xc4: {  	_ =	task.clear_ibuf [dreg:s8], $0x2FFFF;
	_ =	strace $0x9FFFFFFF  }
0xc5: {  	(tm) =	ssettm $0x7FFFFFFF  }
tec
execute0_lowered:
.L_overlay_start_1:
0x0: {  	(tag) =	ssettag $0x1  }
0x1: {  	s0 =	rddreg [dreg:$0x0]  }
0x2: {  	s1 =	rddreg [dreg:$0x2]  }
0x3: {  	s2 =	rddreg [dreg:$0x3];
	s4 =	srdreg.scid;
	s3 =	simm.s32 $0x0  }
0x4: {  	s5 =	stileid.u32;
	s10 =	simm.s32 $0x80;
	s9 =	simm.s32 $0x580  }
0x5: {  	s11 =	simm.s32 $0x7680;
	s12 =	simm.s32 $0x980;
	s13 =	simm.s32 $0x7700  }
0x6: {  	s14 =	simm.s32 $0xD80;
	s15 =	simm.s32 $0x7780;
	s16 =	simm.s32 $0x1  }
0x7: {  	s17 =	simm.s32 $0xD400;
	s18 =	simm.s32 $0x2;
	s19 =	simm.s32 $0x0  }
0x8: {  	s4 =	sand.u32 $0x1, s4;
	[smem:$0x7FF] =	sst s3;
	s8 =	sshll.u32 s5, $0xA  }
0x9: {  	p0 =	sne.s32 s5, $0x0;
	s6 =	ssub.s32 $0x2, s4;
	s4 =	sshll.u32 s4, $0x9  }
0xa: {  	_ =	strace $0x80000047;
	s7 =	sshrl.u32 s6, $0x1;
	s30 =	sor.u32 s4, s8  }
0xb: {  	s6 =	ssub.s32 s6, s7;
	s4 =	sadd.s32 s0, s30;
	s31 =	sshrl.u32 s30, $0x3  }
0xc: {  	s7 =	sshrl.u32 @!p0 s2, $0x3;
	s5 =	sadd.s32 s1, s31;
	s6 =	smax.u32 s6, $0x1  }
.LBB2_1:
0xd: {  	s20 =	simm.s32 @!p0 $0x1C02;
	s0 =	rddreg [dreg:$0x1]  }
0xe: {  	[spmem:s7], [sflag:s20] =	dma.local @!p0 [hbm:s0], $0x30E0  }
0xf: {  	s20 =	simm.s32 @!p0 $0x2  }
0x10: {  	_ =	swait.ge @!p0 [sflag:s20], $0x30E0  }
0x11: {  	[sflag:s20] =	ssyncset.done @!p0 $0x0  }
0x12: {  	s26 =	simm.s32 $0x1000;
	s1 =	simm.s32 $0x20000;
	[sflag:s20] =	ssyncadd.s32 @!p0 $0xFFFFCF20  }
0x13: {  	[tilespmem:s3], [sflag:$0x2] =	stream.strided.gather [hbm4b:s4+s26], $0x7000, s1, s26, $0x38;
	[tilespmem:$0xEE70] =	vst v63  }
0x14: {  	_ =	swait.ge [sflag:s18], $0x7000  }
0x15: {  	[sflag:s18] =	ssyncset.done $0x0  }
0x16: {  	[sflag:s18] =	ssyncadd.s32 $0xFFFF9000  }
0x17: {  	s29 =	simm.s32 $0x7000;
	[bflag:$0x0] =	sbarrier.arrive $0xFFFF  }
0x18: {  	[tilespmem:s29], [sflag:$0x1] =	stream.indirect.gather [spmem:s2], $0x1, s3, s10, $0xb8;
	[tilespmem:$0xEE70] =	vst v63  }
0x19: {  	s30 =	simm.s32 $0x400;
	s31 =	simm.s32 $0x7080  }
0x1a: {  	[tilespmem:s31], [sflag:$0x1] =	stream.indirect.gather [spmem:s2], $0x1, s30, s10, $0xb8;
	[tilespmem:$0xEE70] =	vst v63  }
0x1b: {  	s8 =	simm.s32 $0x7100;
	s1 =	simm.s32 $0x800  }
0x1c: {  	[tilespmem:s8], [sflag:$0x1] =	stream.indirect.gather [spmem:s2], $0x1, s1, s10, $0xb8;
	[tilespmem:$0xEE70] =	vst v63  }
0x1d: {  	s21 =	simm.s32 $0xC00;
	s22 =	simm.s32 $0x7180  }
0x1e: {  	[tilespmem:s22], [sflag:$0x1] =	stream.indirect.gather [spmem:s2], $0x1, s21, s10, $0xb8;
	[tilespmem:$0xEE70] =	vst v63  }
0x1f: {  	s23 =	simm.s32 $0x7200  }
0x20: {  	[tilespmem:s23], [sflag:$0x1] =	stream.indirect.gather [spmem:s2], $0x1, s10, s10, $0xb8;
	[tilespmem:$0xEE70] =	vst v63  }
0x21: {  	s24 =	simm.s32 $0x480;
	s25 =	simm.s32 $0x7280  }
0x22: {  	[tilespmem:s25], [sflag:$0x1] =	stream.indirect.gather [spmem:s2], $0x1, s24, s10, $0xb8;
	[tilespmem:$0xEE70] =	vst v63  }
0x23: {  	s26 =	simm.s32 $0x880;
	s29 =	simm.s32 $0x7300  }
0x24: {  	[tilespmem:s29], [sflag:$0x1] =	stream.indirect.gather [spmem:s2], $0x1, s26, s10, $0xb8;
	[tilespmem:$0xEE70] =	vst v63  }
0x25: {  	s30 =	simm.s32 $0xC80;
	s31 =	simm.s32 $0x7380  }
0x26: {  	[tilespmem:s31], [sflag:$0x1] =	stream.indirect.gather [spmem:s2], $0x1, s30, s10, $0xb8;
	[tilespmem:$0xEE70] =	vst v63  }
0x27: {  	s1 =	simm.s32 $0x100;
	s8 =	simm.s32 $0x7400  }
0x28: {  	[tilespmem:s8], [sflag:$0x1] =	stream.indirect.gather [spmem:s2], $0x1, s1, s10, $0xb8;
	[tilespmem:$0xEE70] =	vst v63  }
0x29: {  	s20 =	simm.s32 $0x500;
	s21 =	simm.s32 $0x7480  }
0x2a: {  	[tilespmem:s21], [sflag:$0x1] =	stream.indirect.gather [spmem:s2], $0x1, s20, s10, $0xb8;
	[tilespmem:$0xEE70] =	vst v63  }
0x2b: {  	s22 =	simm.s32 $0x900;
	s23 =	simm.s32 $0x7500  }
0x2c: {  	[tilespmem:s23], [sflag:$0x1] =	stream.indirect.gather [spmem:s2], $0x1, s22, s10, $0xb8;
	[tilespmem:$0xEE70] =	vst v63  }
0x2d: {  	s24 =	simm.s32 $0xD00;
	s25 =	simm.s32 $0x7580  }
0x2e: {  	[tilespmem:s25], [sflag:$0x1] =	stream.indirect.gather [spmem:s2], $0x1, s24, s10, $0xb8;
	[tilespmem:$0xEE70] =	vst v63  }
0x2f: {  	s26 =	simm.s32 $0x180;
	s29 =	simm.s32 $0x7600  }
0x30: {  	[tilespmem:s29], [sflag:$0x1] =	stream.indirect.gather [spmem:s2], $0x1, s26, s10, $0xb8;
	[tilespmem:$0xEE70] =	vst v63  }
0x31: {  	s0 =	simm.s32 $0x7880  }
0x32: {  	[tilespmem:s11], [sflag:$0x1] =	stream.indirect.gather [spmem:s2], $0x1, s9, s10, $0xb8;
	[tilespmem:$0xEE70] =	vst v63  }
0x33: {  	s30 =	simm.s32 $0x280;
	s22 =	simm.s32 $0x800;
	s23 =	simm.s32 $0x200  }
0x34: {  	[tilespmem:s13], [sflag:$0x1] =	stream.indirect.gather [spmem:s2], $0x1, s12, s10, $0xb8;
	[tilespmem:$0xEE70] =	vst v63  }
0x35: {  	s1 =	simm.s32 $0x7980;
	s22 =	sand.u32 $0x7000, s22;
	s23 =	sand.u32 $0x300, s23  }
0x36: {  	[tilespmem:s15], [sflag:$0x1] =	stream.indirect.gather [spmem:s2], $0x1, s14, s10, $0xb8;
	[tilespmem:$0xEE70] =	vst v63  }
0x37: {  	s24 =	simm.s32 $0x7800;
	s23 =	sor.u32 s23, s22;
	s25 =	sand.u32 $0x3, s18  }
0x38: {  	[tilespmem:s24], [sflag:$0x1] =	stream.indirect.gather [spmem:s2], $0x1, s23, s10, $0xb8;
	[tilespmem:$0xEE70] =	vst v63  }
0x39: {  	s21 =	simm.s32 $0xA00;
	s31 =	sshll.u32 s25, $0x8;
	s28 =	sor.u32 $0x400, s23  }
0x3a: {  	[tilespmem:s0], [sflag:$0x1] =	stream.indirect.gather [spmem:s2], $0x1, s28, s10, $0xb8;
	[tilespmem:$0xEE70] =	vst v63  }
0x3b: {  	s26 =	simm.s32 $0x7900;
	s24 =	sadd.s32 $0x800, s31;
	s23 =	sor.u32 $0x800, s23  }
0x3c: {  	[tilespmem:s26], [sflag:$0x1] =	stream.indirect.gather [spmem:s2], $0x1, s23, s10, $0xb8;
	[tilespmem:$0xEE70] =	vst v63  }
0x3d: {  	s20 =	sand.u32 $0x380, s30;
	s21 =	sand.u32 $0x7000, s21;
	s24 =	sor.u32 $0xC00, s24  }
0x3e: {  	[tilespmem:s1], [sflag:$0x1] =	stream.indirect.gather [spmem:s2], $0x1, s24, s10, $0xb8;
	[tilespmem:$0xEE70] =	vst v63  }
0x3f: {  	s8 =	simm.s32 $0x7A00;
	s22 =	sor.u32 s20, s22;
	s20 =	sor.u32 s20, s21  }
0x40: {  	[tilespmem:s8], [sflag:$0x1] =	stream.indirect.gather [spmem:s2], $0x1, s22, s10, $0xb8;
	[tilespmem:$0xEE70] =	vst v63  }
0x41: {  	s25 =	sor.u32 $0x400, s20;
	s24 =	simm.s32 $0x7A80  }
0x42: {  	[tilespmem:s24], [sflag:$0x1] =	stream.indirect.gather [spmem:s2], $0x1, s25, s10, $0xb8;
	[tilespmem:$0xEE70] =	vst v63  }
0x43: {  	s29 =	sor.u32 $0x800, s20;
	s26 =	simm.s32 $0x7B00  }
0x44: {  	[tilespmem:s26], [sflag:$0x1] =	stream.indirect.gather [spmem:s2], $0x1, s29, s10, $0xb8;
	[tilespmem:$0xEE70] =	vst v63  }
0x45: {  	s30 =	simm.s32 $0x7B80;
	s20 =	sor.u32 $0xC00, s20  }
0x46: {  	[tilespmem:s30], [sflag:$0x1] =	stream.indirect.gather [spmem:s2], $0x1, s20, s10, $0xb8;
	[tilespmem:$0xEE70] =	vst v63  }
0x47: {  	_ =	swait.ge [sflag:s16], $0x80  }
0x48: {  	[sflag:s16] =	ssyncset.done $0x0  }
0x49: {  	[sflag:s16] =	ssyncadd.s32 $0xFFFFFF80  }
0x4a: {  	_ =	swait.ge [sflag:s16], $0x80  }
0x4b: {  	[sflag:s16] =	ssyncset.done $0x0  }
0x4c: {  	[sflag:s16] =	ssyncadd.s32 $0xFFFFFF80  }
0x4d: {  	_ =	swait.ge [sflag:s16], $0x80  }
0x4e: {  	[sflag:s16] =	ssyncset.done $0x0  }
0x4f: {  	[sflag:s16] =	ssyncadd.s32 $0xFFFFFF80  }
0x50: {  	_ =	swait.ge [sflag:s16], $0x80  }
0x51: {  	[sflag:s16] =	ssyncset.done $0x0  }
0x52: {  	[sflag:s16] =	ssyncadd.s32 $0xFFFFFF80  }
0x53: {  	_ =	swait.ge [sflag:s16], $0x80  }
0x54: {  	[sflag:s16] =	ssyncset.done $0x0  }
0x55: {  	s21 =	simm.s32 $0xC00;
	s31 =	simm.s32 $0xC00;
	[sflag:s16] =	ssyncadd.s32 $0xFFFFFF80  }
0x56: {  	s28 =	sand.u32 $0x7000, s31;
	s23 =	simm.s32 $0x3;
	_ =	swait.ge [sflag:s16], $0x80  }
0x57: {  	s22 =	simm.s32 $0xE00;
	s24 =	simm.s32 $0x2000;
	[sflag:s16] =	ssyncset.done $0x0  }
0x58: {  	s25 =	simm.s32 $0x400;
	s29 =	simm.s32 $0x300;
	[sflag:s16] =	ssyncadd.s32 $0xFFFFFF80  }
0x59: {  	s26 =	sand.u32 $0x300, s29;
	s20 =	simm.s32 $0x380;
	_ =	swait.ge [sflag:s16], $0x80  }
.LBB2_2:
0x5a: {  	s29 =	sadd.s32 $0x7800, s25  }
0x5b: {  	s30 =	sor.u32 s26, s28;
	[sflag:s16] =	ssyncset.done $0x0;
	s26 =	smov.u32 s24  }
0x5c: {  	p1 =	sne.s32 s24, $0x16000;
	s24 =	sadd.s32 $0x1000, s24;
	[sflag:s16] =	ssyncadd.s32 $0xFFFFFF80  }
0x5d: {  	s31 =	sand.u32 $0x3, s23;
	s0 =	sadd.s32 $0x7900, s25;
	_ =	swait.ge [sflag:s16], $0x80  }
0x5e: {  	s31 =	sshll.u32 s31, $0x8;
	[sflag:s16] =	ssyncset.done $0x0  }
0x5f: {  	s1 =	sadd.s32 $0x7880, s25;
	s8 =	sand.u32 $0x7000, s22;
	[sflag:s16] =	ssyncadd.s32 $0xFFFFFF80  }
0x60: {  	[tilespmem:s29], [sflag:$0x1] =	stream.indirect.gather [spmem:s2], $0x1, s30, s10, $0xb8;
	[tilespmem:$0xEE70] =	vst v63  }
0x61: {  	s29 =	sadd.s32 s31, s21;
	s31 =	sor.u32 $0x400, s30;
	s30 =	sor.u32 $0x800, s30  }
0x62: {  	[tilespmem:s1], [sflag:$0x1] =	stream.indirect.gather [spmem:s2], $0x1, s31, s10, $0xb8;
	[tilespmem:$0xEE70] =	vst v63  }
0x63: {  	s29 =	sor.u32 $0xC00, s29;
	s1 =	sadd.s32 $0x7980, s25;
	s31 =	sand.u32 $0x380, s20  }
0x64: {  	[tilespmem:s0], [sflag:$0x1] =	stream.indirect.gather [spmem:s2], $0x1, s30, s10, $0xb8;
	[tilespmem:$0xEE70] =	vst v63  }
0x65: {  	s28 =	sor.u32 s31, s28;
	s8 =	sor.u32 s31, s8;
	s0 =	sadd.s32 $0x7A00, s25  }
0x66: {  	[tilespmem:s1], [sflag:$0x1] =	stream.indirect.gather [spmem:s2], $0x1, s29, s10, $0xb8;
	[tilespmem:$0xEE70] =	vst v63  }
0x67: {  	s1 =	sadd.s32 $0x7A80, s25;
	s29 =	sor.u32 $0x400, s8  }
0x68: {  	[tilespmem:s0], [sflag:$0x1] =	stream.indirect.gather [spmem:s2], $0x1, s28, s10, $0xb8;
	[tilespmem:$0xEE70] =	vst v63  }
0x69: {  	s0 =	sadd.s32 $0x7B00, s25;
	s28 =	sor.u32 $0x800, s8  }
0x6a: {  	[tilespmem:s1], [sflag:$0x1] =	stream.indirect.gather [spmem:s2], $0x1, s29, s10, $0xb8;
	[tilespmem:$0xEE70] =	vst v63  }
0x6b: {  	s8 =	sor.u32 $0xC00, s8;
	s1 =	sadd.s32 $0x7B80, s25  }
0x6c: {  	[tilespmem:s0], [sflag:$0x1] =	stream.indirect.gather [spmem:s2], $0x1, s28, s10, $0xb8;
	[tilespmem:$0xEE70] =	vst v63  }
0x6d: {  	_ = 	snop  }
0x6e: {  	[tilespmem:s1], [sflag:$0x1] =	stream.indirect.gather [spmem:s2], $0x1, s8, s10, $0xb8;
	[tilespmem:$0xEE70] =	vst v63  }
0x6f: {  	_ =	swait.ge [sflag:s16], $0x80  }
0x70: {  	[sflag:s16] =	ssyncset.done $0x0  }
0x71: {  	[sflag:s16] =	ssyncadd.s32 $0xFFFFFF80  }
0x72: {  	_ =	swait.ge [sflag:s16], $0x80  }
0x73: {  	[sflag:s16] =	ssyncset.done $0x0  }
0x74: {  	[sflag:s16] =	ssyncadd.s32 $0xFFFFFF80  }
0x75: {  	_ =	swait.ge [sflag:s16], $0x80  }
0x76: {  	[sflag:s16] =	ssyncset.done $0x0  }
0x77: {  	[sflag:s16] =	ssyncadd.s32 $0xFFFFFF80  }
0x78: {  	_ =	swait.ge [sflag:s16], $0x80  }
0x79: {  	[sflag:s16] =	ssyncset.done $0x0  }
0x7a: {  	[sflag:s16] =	ssyncadd.s32 $0xFFFFFF80  }
0x7b: {  	_ =	swait.ge [sflag:s16], $0x80  }
0x7c: {  	[sflag:s16] =	ssyncset.done $0x0  }
.Ltmp0:
0x7d: {  	s23 =	sadd.s32 $0x1, s23;
	[sflag:s16] =	ssyncadd.s32 $0xFFFFFF80;
	(pc) =	sbr.rel @p1 .LBB2_2-.Ltmp0, $4  }
0x7e: {  	s22 =	sadd.s32 $0x400, s22;
	s21 =	sadd.s32 $0x400, s21;
	_ =	swait.ge [sflag:s16], $0x80  }
0x7f: {  	s20 =	sadd.s32 $0x100, s20;
	s25 =	sshra.s32 s26, $0x2;
	[sflag:s16] =	ssyncset.done $0x0  }
0x80: {  	s0 =	sadd.s32 $0xFFFFFE00, s22;
	s1 =	sadd.s32 $0xFFFFFF80, s20;
	[sflag:s16] =	ssyncadd.s32 $0xFFFFFF80  }
0x81: {  	s28 =	sand.u32 $0x7000, s0;
	s26 =	sand.u32 $0x300, s1;
	_ =	swait.ge [sflag:s16], $0x80  }
0x82: {  	[sflag:s16] =	ssyncset.done $0x0  }
0x83: {  	[sflag:s16] =	ssyncadd.s32 $0xFFFFFF80  }
0x84: {  	_ =	swait.ge [sflag:s16], $0x80  }
0x85: {  	s0 =	sadd.s32 $0x7800, s25;
	s1 =	sor.u32 s26, s28;
	[sflag:s16] =	ssyncset.done $0x0  }
0x86: {  	s8 =	sand.u32 $0x3, s23;
	s29 =	sadd.s32 $0x7900, s25;
	[sflag:s16] =	ssyncadd.s32 $0xFFFFFF80  }
0x87: {  	[tilespmem:s0], [sflag:$0x1] =	stream.indirect.gather [spmem:s2], $0x1, s1, s10, $0xb8;
	[tilespmem:$0xEE70] =	vst v63  }
0x88: {  	s31 =	sadd.s32 $0x7880, s25;
	s30 =	sshll.u32 s8, $0x8;
	s24 =	sor.u32 $0x400, s1  }
0x89: {  	[tilespmem:s31], [sflag:$0x1] =	stream.indirect.gather [spmem:s2], $0x1, s24, s10, $0xb8;
	[tilespmem:$0xEE70] =	vst v63  }
0x8a: {  	s26 =	sand.u32 $0x7000, s22;
	s0 =	sadd.s32 s30, s21;
	s1 =	sor.u32 $0x800, s1  }
0x8b: {  	[tilespmem:s29], [sflag:$0x1] =	stream.indirect.gather [spmem:s2], $0x1, s1, s10, $0xb8;
	[tilespmem:$0xEE70] =	vst v63  }
0x8c: {  	s20 =	sand.u32 $0x380, s20;
	s0 =	sor.u32 $0xC00, s0;
	s29 =	sadd.s32 $0x7980, s25  }
0x8d: {  	[tilespmem:s29], [sflag:$0x1] =	stream.indirect.gather [spmem:s2], $0x1, s0, s10, $0xb8;
	[tilespmem:$0xEE70] =	vst v63  }
0x8e: {  	s8 =	sor.u32 s20, s26;
	s30 =	sadd.s32 $0x7A00, s25;
	s31 =	sor.u32 s20, s28  }
0x8f: {  	[tilespmem:s30], [sflag:$0x1] =	stream.indirect.gather [spmem:s2], $0x1, s31, s10, $0xb8;
	[tilespmem:$0xEE70] =	vst v63  }
0x90: {  	s22 =	sor.u32 $0x400, s8;
	s21 =	sadd.s32 $0x7A80, s25  }
0x91: {  	[tilespmem:s21], [sflag:$0x1] =	stream.indirect.gather [spmem:s2], $0x1, s22, s10, $0xb8;
	[tilespmem:$0xEE70] =	vst v63  }
0x92: {  	s23 =	sadd.s32 $0x7B00, s25;
	s24 =	sor.u32 $0x800, s8  }
0x93: {  	[tilespmem:s23], [sflag:$0x1] =	stream.indirect.gather [spmem:s2], $0x1, s24, s10, $0xb8;
	[tilespmem:$0xEE70] =	vst v63  }
0x94: {  	s26 =	sadd.s32 $0x7B80, s25;
	s28 =	sor.u32 $0xC00, s8  }
0x95: {  	[tilespmem:s26], [sflag:$0x1] =	stream.indirect.gather [spmem:s2], $0x1, s28, s10, $0xb8;
	[tilespmem:$0xEE70] =	vst v63  }
0x96: {  	_ =	swait.ge [sflag:s16], $0x80  }
0x97: {  	[sflag:s16] =	ssyncset.done $0x0  }
0x98: {  	[sflag:s16] =	ssyncadd.s32 $0xFFFFFF80  }
0x99: {  	_ =	swait.ge [sflag:s16], $0x80  }
0x9a: {  	[sflag:s16] =	ssyncset.done $0x0  }
0x9b: {  	[sflag:s16] =	ssyncadd.s32 $0xFFFFFF80  }
0x9c: {  	_ =	swait.ge [sflag:s16], $0x80  }
0x9d: {  	[sflag:s16] =	ssyncset.done $0x0  }
0x9e: {  	[sflag:s16] =	ssyncadd.s32 $0xFFFFFF80  }
0x9f: {  	_ =	swait.ge [sflag:s16], $0x80  }
0xa0: {  	[sflag:s16] =	ssyncset.done $0x0  }
0xa1: {  	[sflag:s16] =	ssyncadd.s32 $0xFFFFFF80  }
0xa2: {  	_ =	swait.ge [sflag:s16], $0x80  }
0xa3: {  	[sflag:s16] =	ssyncset.done $0x0  }
0xa4: {  	[sflag:s16] =	ssyncadd.s32 $0xFFFFFF80  }
0xa5: {  	_ =	swait.ge [sflag:s16], $0x80  }
0xa6: {  	[sflag:s16] =	ssyncset.done $0x0  }
0xa7: {  	[sflag:s16] =	ssyncadd.s32 $0xFFFFFF80  }
0xa8: {  	_ =	swait.ge [sflag:s16], $0x80  }
0xa9: {  	[sflag:s16] =	ssyncset.done $0x0  }
0xaa: {  	[sflag:s16] =	ssyncadd.s32 $0xFFFFFF80  }
0xab: {  	_ =	swait.ge [sflag:s16], $0x80  }
0xac: {  	[sflag:s16] =	ssyncset.done $0x0  }
0xad: {  	[sflag:s16] =	ssyncadd.s32 $0xFFFFFF80  }
0xae: {  	_ =	swait.ge [sflag:s16], $0x80  }
0xaf: {  	[sflag:s16] =	ssyncset.done $0x0  }
0xb0: {  	[sflag:s16] =	ssyncadd.s32 $0xFFFFFF80  }
0xb1: {  	_ =	swait.ge [sflag:s16], $0x80  }
0xb2: {  	[sflag:s16] =	ssyncset.done $0x0  }
0xb3: {  	[sflag:s16] =	ssyncadd.s32 $0xFFFFFF80  }
0xb4: {  	_ =	swait.ge [sflag:s16], $0x80  }
0xb5: {  	[sflag:s16] =	ssyncset.done $0x0  }
0xb6: {  	[sflag:s16] =	ssyncadd.s32 $0xFFFFFF80  }
0xb7: {  	_ =	swait.ge [sflag:s16], $0x80  }
0xb8: {  	[sflag:s16] =	ssyncset.done $0x0  }
0xb9: {  	[sflag:s16] =	ssyncadd.s32 $0xFFFFFF80  }
0xba: {  	_ =	swait.ge [sflag:s16], $0x80  }
0xbb: {  	[sflag:s16] =	ssyncset.done $0x0  }
0xbc: {  	[sflag:s16] =	ssyncadd.s32 $0xFFFFFF80  }
0xbd: {  	_ =	swait.ge [sflag:s16], $0x80  }
0xbe: {  	[sflag:s16] =	ssyncset.done $0x0  }
0xbf: {  	[sflag:s16] =	ssyncadd.s32 $0xFFFFFF80  }
0xc0: {  	_ =	swait.ge [sflag:s16], $0x80  }
0xc1: {  	[sflag:s16] =	ssyncset.done $0x0  }
0xc2: {  	[sflag:s16] =	ssyncadd.s32 $0xFFFFFF80  }
0xc3: {  	_ =	swait.ge [sflag:s16], $0x80  }
0xc4: {  	[sflag:s16] =	ssyncset.done $0x0  }
0xc5: {  	[sflag:s16] =	ssyncadd.s32 $0xFFFFFF80  }
0xc6: {  	_ =	swait.ge [sflag:s16], $0x80  }
0xc7: {  	[sflag:s16] =	ssyncset.done $0x0  }
0xc8: {  	[sflag:s16] =	ssyncadd.s32 $0xFFFFFF80  }
0xc9: {  	_ =	swait.ge [sflag:s16], $0x80  }
0xca: {  	[sflag:s16] =	ssyncset.done $0x0  }
0xcb: {  	[sflag:s16] =	ssyncadd.s32 $0xFFFFFF80  }
0xcc: {  	_ =	swait.ge [sflag:s16], $0x80  }
0xcd: {  	[sflag:s16] =	ssyncset.done $0x0  }
0xce: {  	[sflag:s16] =	ssyncadd.s32 $0xFFFFFF80  }
0xcf: {  	_ =	swait.ge [sflag:s16], $0x80  }
0xd0: {  	[sflag:s16] =	ssyncset.done $0x0  }
0xd1: {  	[sflag:s16] =	ssyncadd.s32 $0xFFFFFF80  }
0xd2: {  	_ =	swait.ge [sflag:s16], $0x80  }
0xd3: {  	[sflag:s16] =	ssyncset.done $0x0  }
0xd4: {  	[sflag:s16] =	ssyncadd.s32 $0xFFFFFF80  }
0xd5: {  	_ =	swait.ge [sflag:s16], $0x80  }
0xd6: {  	[sflag:s16] =	ssyncset.done $0x0  }
0xd7: {  	[sflag:s16] =	ssyncadd.s32 $0xFFFFFF80  }
0xd8: {  	_ =	swait.ge [sflag:s16], $0x80  }
0xd9: {  	[sflag:s16] =	ssyncset.done $0x0  }
0xda: {  	[sflag:s16] =	ssyncadd.s32 $0xFFFFFF80  }
0xdb: {  	_ =	swait.ge [sflag:s16], $0x80  }
0xdc: {  	[sflag:s16] =	ssyncset.done $0x0  }
0xdd: {  	s29 =	simm.s32 $0x7000;
	[sflag:s16] =	ssyncadd.s32 $0xFFFFFF80  }
0xde: {  	s30 =	simm.s32 $0x0;
	v0 =	vld [tilespmem:s29+$0x0]  }
0xdf: {  	s31 =	sand.u32 $0x1F0, s30  }
0xe0: {  	v1 =	vld [tilespmem:s31+$0x7200];
	_ =	sdelay $0x1  }
0xe1: {  	v2 =	vld [tilespmem:s31+$0x7400]  }
0xe2: {  	v0 =	vadd.f32 $0.0e+00, v0  }
0xe3: {  	v3 =	vld [tilespmem:s31+$0x7600]  }
0xe4: {  	v0 =	vadd.f32 v1, v0  }
0xe5: {  	v1 =	vld [tilespmem:s31+$0x7800]  }
0xe6: {  	v0 =	vadd.f32 v2, v0  }
0xe7: {  	v2 =	vld [tilespmem:s31+$0x7A00]  }
0xe8: {  	v0 =	vadd.f32 v3, v0  }
0xe9: {  	v3 =	vld [tilespmem:s31+$0x7C00]  }
0xea: {  	v0 =	vadd.f32 v1, v0  }
0xeb: {  	v1 =	vld [tilespmem:s31+$0x7E00]  }
0xec: {  	v0 =	vadd.f32 v2, v0  }
0xed: {  	v2 =	vld [tilespmem:s31+$0x8000]  }
0xee: {  	v0 =	vadd.f32 v3, v0  }
0xef: {  	v3 =	vld [tilespmem:s31+$0x8200]  }
0xf0: {  	v0 =	vadd.f32 v1, v0  }
0xf1: {  	v1 =	vld [tilespmem:s31+$0x8400]  }
0xf2: {  	v0 =	vadd.f32 v2, v0  }
0xf3: {  	v2 =	vld [tilespmem:s31+$0x8600]  }
0xf4: {  	v0 =	vadd.f32 v3, v0  }
0xf5: {  	v3 =	vld [tilespmem:s31+$0x8800]  }
0xf6: {  	v0 =	vadd.f32 v1, v0  }
0xf7: {  	v1 =	vld [tilespmem:s31+$0x8A00]  }
0xf8: {  	v0 =	vadd.f32 v2, v0  }
0xf9: {  	v2 =	vld [tilespmem:s31+$0x8C00]  }
0xfa: {  	v0 =	vadd.f32 v3, v0  }
0xfb: {  	v3 =	vld [tilespmem:s31+$0x8E00]  }
0xfc: {  	v0 =	vadd.f32 v1, v0  }
0xfd: {  	v1 =	vld [tilespmem:s31+$0x9000]  }
0xfe: {  	v0 =	vadd.f32 v2, v0  }
0xff: {  	v2 =	vld [tilespmem:s31+$0x9200]  }
0x100: {  	v0 =	vadd.f32 v3, v0  }
0x101: {  	v3 =	vld [tilespmem:s31+$0x9400]  }
0x102: {  	v0 =	vadd.f32 v1, v0  }
0x103: {  	v1 =	vld [tilespmem:s31+$0x9600]  }
0x104: {  	v0 =	vadd.f32 v2, v0  }
0x105: {  	v2 =	vld [tilespmem:s31+$0x9800]  }
0x106: {  	v0 =	vadd.f32 v3, v0  }
0x107: {  	v3 =	vld [tilespmem:s31+$0x9A00]  }
0x108: {  	v0 =	vadd.f32 v1, v0  }
0x109: {  	v1 =	vld [tilespmem:s31+$0x9C00]  }
0x10a: {  	v0 =	vadd.f32 v2, v0  }
0x10b: {  	v2 =	vld [tilespmem:s31+$0x9E00]  }
0x10c: {  	v0 =	vadd.f32 v3, v0  }
0x10d: {  	v3 =	vld [tilespmem:s31+$0xA000]  }
0x10e: {  	v0 =	vadd.f32 v1, v0  }
0x10f: {  	v1 =	vld [tilespmem:s31+$0xA200]  }
0x110: {  	v0 =	vadd.f32 v2, v0  }
0x111: {  	v2 =	vld [tilespmem:s31+$0xA400]  }
0x112: {  	v0 =	vadd.f32 v3, v0  }
0x113: {  	v3 =	vld [tilespmem:s31+$0xA600]  }
0x114: {  	v0 =	vadd.f32 v1, v0  }
0x115: {  	v1 =	vld [tilespmem:s31+$0xA800]  }
0x116: {  	v0 =	vadd.f32 v2, v0  }
0x117: {  	v2 =	vld [tilespmem:s31+$0xAA00]  }
0x118: {  	v0 =	vadd.f32 v3, v0  }
0x119: {  	v3 =	vld [tilespmem:s31+$0xAC00]  }
0x11a: {  	v0 =	vadd.f32 v1, v0  }
0x11b: {  	v1 =	vld [tilespmem:s31+$0xAE00]  }
0x11c: {  	v0 =	vadd.f32 v2, v0  }
0x11d: {  	v2 =	vld [tilespmem:s31+$0xB000]  }
0x11e: {  	v0 =	vadd.f32 v3, v0  }
0x11f: {  	v3 =	vld [tilespmem:s31+$0xB200]  }
0x120: {  	v0 =	vadd.f32 v1, v0  }
0x121: {  	v1 =	vld [tilespmem:s31+$0xB400]  }
0x122: {  	v0 =	vadd.f32 v2, v0  }
0x123: {  	v2 =	vld [tilespmem:s31+$0xB600]  }
0x124: {  	v0 =	vadd.f32 v3, v0  }
0x125: {  	v3 =	vld [tilespmem:s31+$0xB800]  }
0x126: {  	v0 =	vadd.f32 v1, v0  }
0x127: {  	v1 =	vld [tilespmem:s31+$0xBA00]  }
0x128: {  	v0 =	vadd.f32 v2, v0  }
0x129: {  	v2 =	vld [tilespmem:s31+$0xBC00]  }
0x12a: {  	v0 =	vadd.f32 v3, v0  }
0x12b: {  	v3 =	vld [tilespmem:s31+$0xBE00]  }
0x12c: {  	v0 =	vadd.f32 v1, v0  }
0x12d: {  	v1 =	vld [tilespmem:s31+$0xC000]  }
0x12e: {  	v0 =	vadd.f32 v2, v0  }
0x12f: {  	v2 =	vld [tilespmem:s31+$0xC200]  }
0x130: {  	v0 =	vadd.f32 v3, v0  }
0x131: {  	v3 =	vld [tilespmem:s31+$0xC400]  }
0x132: {  	v0 =	vadd.f32 v1, v0  }
0x133: {  	v1 =	vld [tilespmem:s31+$0xC600]  }
0x134: {  	v0 =	vadd.f32 v2, v0  }
0x135: {  	v2 =	vld [tilespmem:s31+$0xC800]  }
0x136: {  	v0 =	vadd.f32 v3, v0  }
0x137: {  	v3 =	vld [tilespmem:s31+$0xCA00]  }
0x138: {  	v0 =	vadd.f32 v1, v0  }
0x139: {  	v1 =	vld [tilespmem:s31+$0xCC00]  }
0x13a: {  	v0 =	vadd.f32 v2, v0  }
0x13b: {  	v2 =	vld [tilespmem:s31+$0xCE00]  }
0x13c: {  	v0 =	vadd.f32 v3, v0  }
0x13d: {  	v3 =	vld [tilespmem:s31+$0xD000]  }
0x13e: {  	v0 =	vadd.f32 v1, v0  }
0x13f: {  	v1 =	vld [tilespmem:s31+$0xD200]  }
0x140: {  	v0 =	vadd.f32 v2, v0;
	_ =	sdelay $0x1  }
0x141: {  	v0 =	vadd.f32 v3, v0;
	_ =	sdelay $0x1  }
0x142: {  	v0 =	vadd.f32 v1, v0;
	_ =	sdelay $0x1  }
0x143: {  	v0 =	vsub.f32 $0.0e+00, v0;
	_ =	sdelay $0x1  }
0x144: {  	v0 =	vmul.f32 $1.442695020e+00, v0;
	_ =	sdelay $0x1  }
0x145: {  	(erf) = vpow2.f32 v0;
	_ =	sdelay $0x8  }
0x146: {  	v0 =	vpop (erf)  }
0x147: {  	v0 =	vadd.f32 $1.000000000e+00, v0;
	_ =	sdelay $0x1  }
0x148: {  	(erf) = vrcp.f32 v0;
	_ =	sdelay $0x8  }
0x149: {  	s20 =	simm.s32 $0xD400;
	v0 =	vpop (erf)  }
0x14a: {  	s21 =	simm.s32 $0x7010;
	[tilespmem:s20+$0x0] =	vst v0  }
0x14b: {  	s22 =	simm.s32 $0x10;
	s23 =	simm.s32 $0x20;
	v0 =	vld [tilespmem:s21+$0x0]  }
.LBB2_4:
0x14c: {  	p1 =	sne.s32 s23, $0x1F0;
	s24 =	sand.u32 $0x1F0, s22;
	s22 =	smov.u32 s23  }
0x14d: {  	v1 =	vld [tilespmem:s24+$0x7200];
	_ =	sdelay $0x1  }
0x14e: {  	v2 =	vld [tilespmem:s24+$0x7400]  }
0x14f: {  	v0 =	vadd.f32 $0.0e+00, v0  }
0x150: {  	v3 =	vld [tilespmem:s24+$0x7600]  }
0x151: {  	v0 =	vadd.f32 v1, v0  }
0x152: {  	v1 =	vld [tilespmem:s24+$0x7800]  }
0x153: {  	v0 =	vadd.f32 v2, v0  }
0x154: {  	v2 =	vld [tilespmem:s24+$0x7A00]  }
0x155: {  	v0 =	vadd.f32 v3, v0  }
0x156: {  	v3 =	vld [tilespmem:s24+$0x7C00]  }
0x157: {  	v0 =	vadd.f32 v1, v0  }
0x158: {  	v1 =	vld [tilespmem:s24+$0x7E00]  }
0x159: {  	v0 =	vadd.f32 v2, v0  }
0x15a: {  	v2 =	vld [tilespmem:s24+$0x8000]  }
0x15b: {  	v0 =	vadd.f32 v3, v0  }
0x15c: {  	v3 =	vld [tilespmem:s24+$0x8200]  }
0x15d: {  	v0 =	vadd.f32 v1, v0  }
0x15e: {  	v1 =	vld [tilespmem:s24+$0x8400]  }
0x15f: {  	v0 =	vadd.f32 v2, v0  }
0x160: {  	v2 =	vld [tilespmem:s24+$0x8600]  }
0x161: {  	v0 =	vadd.f32 v3, v0  }
0x162: {  	v3 =	vld [tilespmem:s24+$0x8800]  }
0x163: {  	v0 =	vadd.f32 v1, v0  }
0x164: {  	v1 =	vld [tilespmem:s24+$0x8A00]  }
0x165: {  	v0 =	vadd.f32 v2, v0  }
0x166: {  	v2 =	vld [tilespmem:s24+$0x8C00]  }
0x167: {  	v0 =	vadd.f32 v3, v0  }
0x168: {  	v3 =	vld [tilespmem:s24+$0x8E00]  }
0x169: {  	v0 =	vadd.f32 v1, v0  }
0x16a: {  	v1 =	vld [tilespmem:s24+$0x9000]  }
0x16b: {  	v0 =	vadd.f32 v2, v0  }
0x16c: {  	v2 =	vld [tilespmem:s24+$0x9200]  }
0x16d: {  	v0 =	vadd.f32 v3, v0  }
0x16e: {  	v3 =	vld [tilespmem:s24+$0x9400]  }
0x16f: {  	v0 =	vadd.f32 v1, v0  }
0x170: {  	v1 =	vld [tilespmem:s24+$0x9600]  }
0x171: {  	v0 =	vadd.f32 v2, v0  }
0x172: {  	v2 =	vld [tilespmem:s24+$0x9800]  }
0x173: {  	v0 =	vadd.f32 v3, v0  }
0x174: {  	v3 =	vld [tilespmem:s24+$0x9A00]  }
0x175: {  	v0 =	vadd.f32 v1, v0  }
0x176: {  	v1 =	vld [tilespmem:s24+$0x9C00]  }
0x177: {  	v0 =	vadd.f32 v2, v0  }
0x178: {  	v2 =	vld [tilespmem:s24+$0x9E00]  }
0x179: {  	v0 =	vadd.f32 v3, v0  }
0x17a: {  	v3 =	vld [tilespmem:s24+$0xA000]  }
0x17b: {  	v0 =	vadd.f32 v1, v0  }
0x17c: {  	v1 =	vld [tilespmem:s24+$0xA200]  }
0x17d: {  	v0 =	vadd.f32 v2, v0  }
0x17e: {  	v2 =	vld [tilespmem:s24+$0xA400]  }
0x17f: {  	v0 =	vadd.f32 v3, v0  }
0x180: {  	v3 =	vld [tilespmem:s24+$0xA600]  }
0x181: {  	v0 =	vadd.f32 v1, v0  }
0x182: {  	v1 =	vld [tilespmem:s24+$0xA800]  }
0x183: {  	v0 =	vadd.f32 v2, v0  }
0x184: {  	v2 =	vld [tilespmem:s24+$0xAA00]  }
0x185: {  	v0 =	vadd.f32 v3, v0  }
0x186: {  	v3 =	vld [tilespmem:s24+$0xAC00]  }
0x187: {  	v0 =	vadd.f32 v1, v0  }
0x188: {  	v1 =	vld [tilespmem:s24+$0xAE00]  }
0x189: {  	v0 =	vadd.f32 v2, v0  }
0x18a: {  	v2 =	vld [tilespmem:s24+$0xB000]  }
0x18b: {  	v0 =	vadd.f32 v3, v0  }
0x18c: {  	v3 =	vld [tilespmem:s24+$0xB200]  }
0x18d: {  	v0 =	vadd.f32 v1, v0  }
0x18e: {  	v1 =	vld [tilespmem:s24+$0xB400]  }
0x18f: {  	v0 =	vadd.f32 v2, v0  }
0x190: {  	v2 =	vld [tilespmem:s24+$0xB600]  }
0x191: {  	v0 =	vadd.f32 v3, v0  }
0x192: {  	v3 =	vld [tilespmem:s24+$0xB800]  }
0x193: {  	v0 =	vadd.f32 v1, v0  }
0x194: {  	v1 =	vld [tilespmem:s24+$0xBA00]  }
0x195: {  	v0 =	vadd.f32 v2, v0  }
0x196: {  	v2 =	vld [tilespmem:s24+$0xBC00]  }
0x197: {  	v0 =	vadd.f32 v3, v0  }
0x198: {  	v3 =	vld [tilespmem:s24+$0xBE00]  }
0x199: {  	v0 =	vadd.f32 v1, v0  }
0x19a: {  	v1 =	vld [tilespmem:s24+$0xC000]  }
0x19b: {  	v0 =	vadd.f32 v2, v0  }
0x19c: {  	v2 =	vld [tilespmem:s24+$0xC200]  }
0x19d: {  	v0 =	vadd.f32 v3, v0  }
0x19e: {  	v3 =	vld [tilespmem:s24+$0xC400]  }
0x19f: {  	v0 =	vadd.f32 v1, v0  }
0x1a0: {  	v1 =	vld [tilespmem:s24+$0xC600]  }
0x1a1: {  	v0 =	vadd.f32 v2, v0  }
0x1a2: {  	v2 =	vld [tilespmem:s24+$0xC800]  }
0x1a3: {  	v0 =	vadd.f32 v3, v0  }
0x1a4: {  	v3 =	vld [tilespmem:s24+$0xCA00]  }
0x1a5: {  	v0 =	vadd.f32 v1, v0  }
0x1a6: {  	v1 =	vld [tilespmem:s24+$0xCC00]  }
0x1a7: {  	v0 =	vadd.f32 v2, v0  }
0x1a8: {  	v2 =	vld [tilespmem:s24+$0xCE00]  }
0x1a9: {  	v0 =	vadd.f32 v3, v0  }
0x1aa: {  	v3 =	vld [tilespmem:s24+$0xD000]  }
0x1ab: {  	v0 =	vadd.f32 v1, v0  }
0x1ac: {  	v1 =	vld [tilespmem:s24+$0xD200]  }
0x1ad: {  	v0 =	vadd.f32 v2, v0;
	_ =	sdelay $0x1  }
0x1ae: {  	v0 =	vadd.f32 v3, v0;
	_ =	sdelay $0x1  }
0x1af: {  	v0 =	vadd.f32 v1, v0;
	_ =	sdelay $0x1  }
0x1b0: {  	v0 =	vsub.f32 $0.0e+00, v0;
	_ =	sdelay $0x1  }
0x1b1: {  	v0 =	vmul.f32 $1.442695020e+00, v0;
	_ =	sdelay $0x1  }
0x1b2: {  	(erf) = vpow2.f32 v0;
	_ =	sdelay $0x8  }
0x1b3: {  	v0 =	vpop (erf)  }
0x1b4: {  	v0 =	vadd.f32 $1.000000000e+00, v0;
	_ =	sdelay $0x1  }
0x1b5: {  	(erf) = vrcp.f32 v0;
	_ =	sdelay $0x6  }
.Ltmp1:
0x1b6: {  	(pc) =	sbr.rel @p1 .LBB2_4-.Ltmp1, $4  }
0x1b7: {  	_ = 	snop  }
0x1b8: {  	s20 =	sadd.s32 $0x10, s20;
	v0 =	vpop (erf)  }
0x1b9: {  	s21 =	sadd.s32 $0x10, s21;
	[tilespmem:s20+$0x0] =	vst v0  }
0x1ba: {  	s23 =	sadd.s32 $0x10, s23;
	v0 =	vld [tilespmem:s21+$0x0]  }
0x1bb: {  	s21 =	sand.u32 $0x1F0, s22  }
0x1bc: {  	v1 =	vld [tilespmem:s21+$0x7200];
	_ =	sdelay $0x1  }
0x1bd: {  	v2 =	vld [tilespmem:s21+$0x7400]  }
0x1be: {  	v0 =	vadd.f32 $0.0e+00, v0  }
0x1bf: {  	v3 =	vld [tilespmem:s21+$0x7600]  }
0x1c0: {  	v0 =	vadd.f32 v1, v0  }
0x1c1: {  	v18 =	vld [tilespmem:s21+$0x7800]  }
0x1c2: {  	v0 =	vadd.f32 v2, v0  }
0x1c3: {  	v19 =	vld [tilespmem:s21+$0x7A00]  }
0x1c4: {  	v0 =	vadd.f32 v3, v0  }
0x1c5: {  	v20 =	vld [tilespmem:s21+$0x7C00]  }
0x1c6: {  	v0 =	vadd.f32 v18, v0  }
0x1c7: {  	v21 =	vld [tilespmem:s21+$0x7E00]  }
0x1c8: {  	v0 =	vadd.f32 v19, v0  }
0x1c9: {  	v22 =	vld [tilespmem:s21+$0x8000]  }
0x1ca: {  	v0 =	vadd.f32 v20, v0  }
0x1cb: {  	v23 =	vld [tilespmem:s21+$0x8200]  }
0x1cc: {  	v0 =	vadd.f32 v21, v0  }
0x1cd: {  	v24 =	vld [tilespmem:s21+$0x8400]  }
0x1ce: {  	v0 =	vadd.f32 v22, v0  }
0x1cf: {  	v25 =	vld [tilespmem:s21+$0x8600]  }
0x1d0: {  	v0 =	vadd.f32 v23, v0  }
0x1d1: {  	v26 =	vld [tilespmem:s21+$0x8800]  }
0x1d2: {  	v0 =	vadd.f32 v24, v0  }
0x1d3: {  	v27 =	vld [tilespmem:s21+$0x8A00]  }
0x1d4: {  	v0 =	vadd.f32 v25, v0  }
0x1d5: {  	v28 =	vld [tilespmem:s21+$0x8C00]  }
0x1d6: {  	v0 =	vadd.f32 v26, v0  }
0x1d7: {  	v29 =	vld [tilespmem:s21+$0x8E00]  }
0x1d8: {  	v0 =	vadd.f32 v27, v0  }
0x1d9: {  	v30 =	vld [tilespmem:s21+$0x9000]  }
0x1da: {  	v0 =	vadd.f32 v28, v0  }
0x1db: {  	v31 =	vld [tilespmem:s21+$0x9200]  }
0x1dc: {  	v0 =	vadd.f32 v29, v0  }
0x1dd: {  	v32 =	vld [tilespmem:s21+$0x9400]  }
0x1de: {  	v0 =	vadd.f32 v30, v0  }
0x1df: {  	v33 =	vld [tilespmem:s21+$0x9600]  }
0x1e0: {  	v0 =	vadd.f32 v31, v0  }
0x1e1: {  	v34 =	vld [tilespmem:s21+$0x9800]  }
0x1e2: {  	v0 =	vadd.f32 v32, v0  }
0x1e3: {  	v35 =	vld [tilespmem:s21+$0x9A00]  }
0x1e4: {  	v0 =	vadd.f32 v33, v0  }
0x1e5: {  	v36 =	vld [tilespmem:s21+$0x9C00]  }
0x1e6: {  	v0 =	vadd.f32 v34, v0  }
0x1e7: {  	v37 =	vld [tilespmem:s21+$0x9E00]  }
0x1e8: {  	v0 =	vadd.f32 v35, v0  }
0x1e9: {  	v38 =	vld [tilespmem:s21+$0xA000]  }
0x1ea: {  	v0 =	vadd.f32 v36, v0  }
0x1eb: {  	v39 =	vld [tilespmem:s21+$0xA200]  }
0x1ec: {  	v0 =	vadd.f32 v37, v0  }
0x1ed: {  	v40 =	vld [tilespmem:s21+$0xA400]  }
0x1ee: {  	v0 =	vadd.f32 v38, v0  }
0x1ef: {  	v41 =	vld [tilespmem:s21+$0xA600]  }
0x1f0: {  	v0 =	vadd.f32 v39, v0  }
0x1f1: {  	v42 =	vld [tilespmem:s21+$0xA800]  }
0x1f2: {  	v0 =	vadd.f32 v40, v0  }
0x1f3: {  	v43 =	vld [tilespmem:s21+$0xAA00]  }
0x1f4: {  	v0 =	vadd.f32 v41, v0  }
0x1f5: {  	v44 =	vld [tilespmem:s21+$0xAC00]  }
0x1f6: {  	v0 =	vadd.f32 v42, v0  }
0x1f7: {  	v45 =	vld [tilespmem:s21+$0xAE00]  }
0x1f8: {  	v0 =	vadd.f32 v43, v0  }
0x1f9: {  	v46 =	vld [tilespmem:s21+$0xB000]  }
0x1fa: {  	v0 =	vadd.f32 v44, v0  }
0x1fb: {  	v47 =	vld [tilespmem:s21+$0xB200]  }
0x1fc: {  	v0 =	vadd.f32 v45, v0  }
0x1fd: {  	v48 =	vld [tilespmem:s21+$0xB400]  }
0x1fe: {  	v0 =	vadd.f32 v46, v0  }
0x1ff: {  	v49 =	vld [tilespmem:s21+$0xB600]  }
0x200: {  	v0 =	vadd.f32 v47, v0  }
0x201: {  	v50 =	vld [tilespmem:s21+$0xB800]  }
0x202: {  	v0 =	vadd.f32 v48, v0  }
0x203: {  	v51 =	vld [tilespmem:s21+$0xBA00]  }
0x204: {  	v0 =	vadd.f32 v49, v0  }
0x205: {  	v52 =	vld [tilespmem:s21+$0xBC00]  }
0x206: {  	v0 =	vadd.f32 v50, v0  }
0x207: {  	v53 =	vld [tilespmem:s21+$0xBE00]  }
0x208: {  	v0 =	vadd.f32 v51, v0  }
0x209: {  	v54 =	vld [tilespmem:s21+$0xC000]  }
0x20a: {  	v0 =	vadd.f32 v52, v0  }
0x20b: {  	v55 =	vld [tilespmem:s21+$0xC200]  }
0x20c: {  	v0 =	vadd.f32 v53, v0  }
0x20d: {  	v56 =	vld [tilespmem:s21+$0xC400]  }
0x20e: {  	v0 =	vadd.f32 v54, v0  }
0x20f: {  	v57 =	vld [tilespmem:s21+$0xC600]  }
0x210: {  	v0 =	vadd.f32 v55, v0  }
0x211: {  	v58 =	vld [tilespmem:s21+$0xC800]  }
0x212: {  	v0 =	vadd.f32 v56, v0  }
0x213: {  	v59 =	vld [tilespmem:s21+$0xCA00]  }
0x214: {  	v0 =	vadd.f32 v57, v0  }
0x215: {  	v60 =	vld [tilespmem:s21+$0xCC00]  }
0x216: {  	v0 =	vadd.f32 v58, v0  }
0x217: {  	v61 =	vld [tilespmem:s21+$0xCE00]  }
0x218: {  	v0 =	vadd.f32 v59, v0  }
0x219: {  	v62 =	vld [tilespmem:s21+$0xD000]  }
0x21a: {  	v0 =	vadd.f32 v60, v0  }
0x21b: {  	v63 =	vld [tilespmem:s21+$0xD200]  }
0x21c: {  	v0 =	vadd.f32 v61, v0;
	_ =	sdelay $0x1  }
0x21d: {  	v0 =	vadd.f32 v62, v0;
	_ =	sdelay $0x1  }
0x21e: {  	v0 =	vadd.f32 v63, v0;
	_ =	sdelay $0x1  }
0x21f: {  	v0 =	vsub.f32 $0.0e+00, v0;
	_ =	sdelay $0x1  }
0x220: {  	v0 =	vmul.f32 $1.442695020e+00, v0;
	_ =	sdelay $0x1  }
0x221: {  	(erf) = vpow2.f32 v0;
	_ =	sdelay $0x8  }
0x222: {  	v0 =	vpop (erf)  }
0x223: {  	v0 =	vadd.f32 $1.000000000e+00, v0;
	_ =	sdelay $0x1  }
0x224: {  	(erf) = vrcp.f32 v0;
	_ =	sdelay $0x7  }
0x225: {  	s19 =	sadd.s32 $0x1, s19  }
0x226: {  	s0 =	sadd.s32 $0x10, s20;
	p1 =	sne.s32 s19, s6;
	v0 =	vpop (erf)  }
.Ltmp2:
0x227: {  	[tilespmem:s0+$0x0] =	vst v0;
	(pc) =	sbr.rel @p1 .LBB2_1-.Ltmp2, $4  }
0x228: {  	[hbm4b:s5+s3] =	stream.linear.scatter [tilespmem:s17], [sflag:$0x2], $0x200, $0x38;
	[tilespmem:$0xEE70] =	vst v63  }
0x229: {  	_ =	swait.ge [sflag:s18], $0x200  }
0x22a: {  	[sflag:s18] =	ssyncset.done $0x0  }
0x22b: {  	[sflag:s18] =	ssyncadd.s32 $0xFFFFFE00  }
0x22c: {  	_ =	sfence.sel $0x180000  }
0x22d: {  	[bflag:$0x0] =	sbarrier.arrive $0xFFFF  }
0x22e: {  	_ =	strace $0x90000047  }
0x22f: {  	[bflag:$0x2] =	sbarrier.arrive $0xFFFF  }
0x230: {  	s0 =	rddreg [dreg:$0x4]  }
0x231: {  	s0 =	sadd.s32 @!p0 $0x100000, s0  }
0x232: {  	[sflag:s0] =	ssyncadd.tile.s32 @!p0 $0x1;
	_ =	shalt  }
.Lfunc_end2:
_tile_overlayer_lowered:
.L_overlay_start_2:
0x233: {  	(tag) =	ssettag $0x2  }
0x234: {  	s0 =	rddreg [dreg:$0x0];
	s2 =	stileid.u32  }
0x235: {  	s1 =	rddreg [dreg:$0x1];
	p0 =	sne.s32 s2, $0x0  }
0x236: {  	s3 =	rddreg [dreg:$0x2];
	[bflag:$0x3] =	sbarrier.arrive $0xFFFF;
	s2 =	simm.s32 @!p0 $0x1C02  }
0x237: {  	[timem:s3], [sflag:s2] =	dma.local @!p0 [hbm:s0], s1  }
0x238: {  	s0 =	simm.s32 @!p0 $0x2  }
0x239: {  	_ =	swait.ge @!p0 [sflag:s0], s1  }
0x23a: {  	s1 =	ssub.s32 @!p0 $0x0, s1;
	[sflag:s0] =	ssyncset.done @!p0 $0x0  }
0x23b: {  	[sflag:s0] =	ssyncadd.s32 @!p0 s1  }
0x23c: {  	[bflag:$0x3] =	sbarrier.arrive $0xFFFF  }
0x23d: {  	_ =	shalt  }

</sc_bundles>
